<compile_context>
chip_gen: v7x
topology: tpu7x:2x2x1
jax: 0.10.2.dev20260603
libtpu: 0.0.44.dev20260713+nightly
codegen_flags: <defaults>
</compile_context>

<pallas_src>
import functools

import jax
import jax.numpy as jnp
from jax import lax
from jax.experimental import pallas as pl
from jax.experimental.pallas import tpu as pltpu
from jax.experimental.pallas import tpu_sc as plsc

_NC = 2
_NS = 16
_L = 16
_NW = _NC * _NS

_P_SC = 1024
_BLOCK_P = 1024

_SC_RP = 16


def _tc_add_kernel(x_ref, t_ref, o_ref):
    o_ref[0, :, :] = x_ref[0, :, :] + t_ref[:, :]


def _tc_add(x, table, p_lo):
    batch, num_pos, feat = x.shape
    np_tc = num_pos - p_lo
    blocks = np_tc // _BLOCK_P
    off = p_lo // _BLOCK_P
    return pl.pallas_call(
        _tc_add_kernel,
        grid=(blocks, batch),
        in_specs=[
            pl.BlockSpec((1, _BLOCK_P, feat), lambda ip, ib: (ib, ip + off, 0)),
            pl.BlockSpec((_BLOCK_P, feat), lambda ip, ib: (ip + off, 0)),
        ],
        out_specs=pl.BlockSpec(
            (1, _BLOCK_P, feat), lambda ip, ib: (ib, ip + off, 0)
        ),
        out_shape=jax.ShapeDtypeStruct((batch, num_pos, feat), x.dtype),
    )(x, table)


def _sc_add(x2d, table, nbatch, num_pos, p_sc, feat):
    rows_per_w = p_sc // _NW
    nch = rows_per_w // _SC_RP

    mesh = plsc.VectorSubcoreMesh(core_axis_name="c", subcore_axis_name="s")

    @functools.partial(
        pl.kernel,
        out_type=jax.ShapeDtypeStruct((nbatch * p_sc, feat), x2d.dtype),
        mesh=mesh,
        scratch_types=[
            pltpu.VMEM((_SC_RP, feat), jnp.float32),
            pltpu.VMEM((4, _SC_RP, feat), jnp.float32),
            pltpu.SemaphoreType.DMA,
            pltpu.SemaphoreType.DMA,
            pltpu.SemaphoreType.DMA,
            pltpu.SemaphoreType.DMA,
            pltpu.SemaphoreType.DMA,
        ],
        compiler_params=pltpu.CompilerParams(
            use_tc_tiling_on_sc=True, has_side_effects=False
        ),
    )
    def k(x_hbm, t_hbm, o_hbm, tbuf, xbuf, sem_t, s0, s1, s2, s3):
        sems = [s0, s1, s2, s3]
        wid = lax.axis_index("c") * _NS + lax.axis_index("s")
        base = wid * rows_per_w

        @pl.loop(0, nch)
        def _chunk(ci):
            trow = base + ci * _SC_RP
            tcopy = pltpu.async_copy(t_hbm.at[pl.ds(trow, _SC_RP)], tbuf, sem_t)

            @pl.when(ci > 0)
            def _drain():
                for b in range(nbatch):
                    pltpu.make_async_copy(
                        x_hbm.at[pl.ds(0, _SC_RP)], xbuf.at[b], sems[b]
                    ).wait()

            xcopies = []
            for b in range(nbatch):
                xcopies.append(
                    pltpu.async_copy(
                        x_hbm.at[pl.ds(b * num_pos + trow, _SC_RP)],
                        xbuf.at[b],
                        sems[b],
                    )
                )
            tcopy.wait()
            for b in range(nbatch):
                xcopies[b].wait()

                @pl.loop(0, _SC_RP)
                def _row(r, b=b):
                    @plsc.parallel_loop(0, feat, step=_L, unroll=8)
                    def _vec(v, b=b, r=r):
                        plsc.addupdate(
                            xbuf.at[b].at[r, pl.ds(v, _L)], tbuf[r, pl.ds(v, _L)]
                        )

                pltpu.async_copy(
                    xbuf.at[b],
                    o_hbm.at[pl.ds(b * p_sc + trow, _SC_RP)],
                    sems[b],
                )

        for b in range(nbatch):
            pltpu.make_async_copy(
                x_hbm.at[pl.ds(0, _SC_RP)], xbuf.at[b], sems[b]
            ).wait()

    return k(x2d, table)


def kernel(x, table):
    batch, num_pos, feat = x.shape
    out_tc = _tc_add(x, table, _P_SC)
    out_sc = _sc_add(
        x.reshape(batch * num_pos, feat), table, batch, num_pos, _P_SC, feat
    ).reshape(batch, _P_SC, feat)
    return out_tc, out_sc

# --- scband reference (transcript-rebuilt; emitter-appended) ---
"""Pipeline reference for scband-auto-positional-embedding-67989332295689 (READ-ONLY COPY).

The authoritative reference and input builder live on the scoring server;
editing this copy changes nothing except your own understanding.
"""

import jax, jax.numpy as jnp
import numpy as np

NUM_POSITIONS = 8192
FEATURE_DIM = 1024
BATCH = 4


def setup_inputs(seed: int = 0) -> dict:
    key = jax.random.key(seed)
    k1, k2 = jax.random.split(key)
    x = jax.random.normal(k1, (BATCH, NUM_POSITIONS, FEATURE_DIM), dtype=jnp.float32)
    # Learned parameter: positional embedding table (nn.Embed kernel)
    table = jax.random.normal(k2, (NUM_POSITIONS, FEATURE_DIM), dtype=jnp.float32)
    return {"x": x, "table": table}


def reference(x, table):
    # positions = arange(num_positions); e = Embed(positions); return x + e
    positions = jnp.arange(NUM_POSITIONS)
    e = jnp.take(table, positions, axis=0)  # embedding lookup (identity gather)
    return x + e

if __name__ == "__main__":
    import jax
    _d = setup_inputs()
    print(jax.jit(kernel)(*tuple(_d.values())))

</pallas_src>

<mosaic_0001>
#map = affine_map<(d0, d1) -> (0, 0)>
module attributes {stable_mosaic.version = 14 : i64} {
  func.func @k(%arg0: i32, %arg1: i32, %arg2: memref<32768x1024xf32, #tpu.memory_space<hbm>>, %arg3: memref<8192x1024xf32, #tpu.memory_space<hbm>>, %arg4: memref<4096x1024xf32, #tpu.memory_space<hbm>>, %arg5: memref<16x1024xf32, #tpu.memory_space<vmem>>, %arg6: memref<4x16x1024xf32, #tpu.memory_space<vmem>>, %arg7: memref<!tpu.dma_semaphore, #tpu.memory_space<semaphore_mem>>, %arg8: memref<!tpu.dma_semaphore, #tpu.memory_space<semaphore_mem>>, %arg9: memref<!tpu.dma_semaphore, #tpu.memory_space<semaphore_mem>>, %arg10: memref<!tpu.dma_semaphore, #tpu.memory_space<semaphore_mem>>, %arg11: memref<!tpu.dma_semaphore, #tpu.memory_space<semaphore_mem>>) attributes {dimension_semantics = [#tpu.dimension_semantics<core_parallel>, #tpu.dimension_semantics<subcore_parallel>], iteration_bounds = array<i64: 2, 16>, scalar_prefetch = 0 : i64, scratch_operands = 7 : i64, tpu.core_type = #tpu.core_type<sc_vector_subcore>, window_params = [{transform_indices = #map}, {transform_indices = #map}, {transform_indices = #map}]} {
    %mul3A = arith.constant 16 : i32
    %mul3A_0 = arith.muli %arg0, %mul3A : i32
    %add3A = arith.addi %mul3A_0, %arg1 : i32
    %mul3A_1 = arith.constant 32 : i32
    %mul3A_2 = arith.muli %add3A, %mul3A_1 : i32
    %scan3A = arith.constant 0 : i32
    %scan3A_3 = arith.constant 2 : i32
    %scan3A_4 = arith.addi %scan3A, %scan3A_3 : i32
    %scan3A_5 = arith.constant 1 : i32
    scf.for %scan3A_66 = %scan3A to %scan3A_4 step %scan3A_5  : i32 {
      %mul3A_67 = arith.constant 1 : i32
      %mul3A_68 = arith.muli %scan3A_66, %mul3A_67 : i32
      %add3A_69 = arith.constant 0 : i32
      %add3A_70 = arith.addi %add3A_69, %mul3A_68 : i32
      %mul3A_71 = arith.constant 16 : i32
      %mul3A_72 = arith.muli %add3A_70, %mul3A_71 : i32
      %add3A_73 = arith.addi %mul3A_2, %mul3A_72 : i32
      %dma_start3A = arith.constant 0 : i32
      %dma_start3A_74 = tpu.memref_slice %arg3[%add3A_73, %dma_start3A] : memref<8192x1024xf32, #tpu.memory_space<hbm>> -> memref<16x1024xf32, #tpu.memory_space<hbm>>
      %dma_start3A_75 = arith.constant 0 : i32
      %dma_start3A_76 = tpu.memref_slice %arg3[%add3A_73, %dma_start3A_75] : memref<8192x1024xf32, #tpu.memory_space<hbm>> -> memref<16x1024xf32, #tpu.memory_space<hbm>>
      tpu.enqueue_dma source(%dma_start3A_76 : memref<16x1024xf32, #tpu.memory_space<hbm>>) target(%arg5 : memref<16x1024xf32, #tpu.memory_space<vmem>>) target_semaphore(%arg7 : memref<!tpu.dma_semaphore, #tpu.memory_space<semaphore_mem>>)
      %gt3A = arith.constant 0 : i32
      %gt3A_77 = arith.cmpi sgt, %add3A_70, %gt3A : i32
      %convert_element_type3A = arith.extui %gt3A_77 : i1 to i32
      %cond3A = arith.constant 0 : i32
      %cond3A_78 = arith.cmpi ne, %convert_element_type3A, %cond3A : i32
      scf.if %cond3A_78 {
        %dma_wait3A_275 = arith.constant 0 : i32
        %dma_wait3A_276 = arith.constant 0 : i32
        %dma_wait3A_277 = arith.constant 0 : i32
        %dma_wait3A_278 = tpu.memref_slice %arg6[%dma_wait3A_275, %dma_wait3A_276, %dma_wait3A_277] : memref<4x16x1024xf32, #tpu.memory_space<vmem>> -> memref<1x16x1024xf32, #tpu.memory_space<vmem>>
        %dma_wait3A_279 = tpu.memref_squeeze %dma_wait3A_278 : memref<1x16x1024xf32, #tpu.memory_space<vmem>> -> memref<16x1024xf32, #tpu.memory_space<vmem>>
        %dma_wait3A_280 = arith.constant 0 : i32
        %dma_wait3A_281 = arith.constant 0 : i32
        %dma_wait3A_282 = tpu.memref_slice %arg2[%dma_wait3A_280, %dma_wait3A_281] : memref<32768x1024xf32, #tpu.memory_space<hbm>> -> memref<16x1024xf32, #tpu.memory_space<hbm>>
        %dma_wait3A_283 = arith.constant 0 : i32
        %dma_wait3A_284 = arith.constant 0 : i32
        %dma_wait3A_285 = tpu.memref_slice %arg6[%dma_wait3A_275, %dma_wait3A_283, %dma_wait3A_284] : memref<4x16x1024xf32, #tpu.memory_space<vmem>> -> memref<1x16x1024xf32, #tpu.memory_space<vmem>>
        %dma_wait3A_286 = tpu.memref_squeeze %dma_wait3A_285 : memref<1x16x1024xf32, #tpu.memory_space<vmem>> -> memref<16x1024xf32, #tpu.memory_space<vmem>>
        %dma_wait3A_287 = arith.constant 0 : i32
        %dma_wait3A_288 = arith.constant 0 : i32
        %dma_wait3A_289 = tpu.memref_slice %arg2[%dma_wait3A_287, %dma_wait3A_288] : memref<32768x1024xf32, #tpu.memory_space<hbm>> -> memref<16x1024xf32, #tpu.memory_space<hbm>>
        tpu.wait_dma2 semaphore(%arg8 : memref<!tpu.dma_semaphore, #tpu.memory_space<semaphore_mem>>) src(%dma_wait3A_289 : memref<16x1024xf32, #tpu.memory_space<hbm>>) dst(%dma_wait3A_286 : memref<16x1024xf32, #tpu.memory_space<vmem>>)
        %dma_wait3A_290 = arith.constant 1 : i32
        %dma_wait3A_291 = arith.constant 0 : i32
        %dma_wait3A_292 = arith.constant 0 : i32
        %dma_wait3A_293 = tpu.memref_slice %arg6[%dma_wait3A_290, %dma_wait3A_291, %dma_wait3A_292] : memref<4x16x1024xf32, #tpu.memory_space<vmem>> -> memref<1x16x1024xf32, #tpu.memory_space<vmem>>
        %dma_wait3A_294 = tpu.memref_squeeze %dma_wait3A_293 : memref<1x16x1024xf32, #tpu.memory_space<vmem>> -> memref<16x1024xf32, #tpu.memory_space<vmem>>
        %dma_wait3A_295 = arith.constant 0 : i32
        %dma_wait3A_296 = arith.constant 0 : i32
        %dma_wait3A_297 = tpu.memref_slice %arg2[%dma_wait3A_295, %dma_wait3A_296] : memref<32768x1024xf32, #tpu.memory_space<hbm>> -> memref<16x1024xf32, #tpu.memory_space<hbm>>
        %dma_wait3A_298 = arith.constant 0 : i32
        %dma_wait3A_299 = arith.constant 0 : i32
        %dma_wait3A_300 = tpu.memref_slice %arg6[%dma_wait3A_290, %dma_wait3A_298, %dma_wait3A_299] : memref<4x16x1024xf32, #tpu.memory_space<vmem>> -> memref<1x16x1024xf32, #tpu.memory_space<vmem>>
        %dma_wait3A_301 = tpu.memref_squeeze %dma_wait3A_300 : memref<1x16x1024xf32, #tpu.memory_space<vmem>> -> memref<16x1024xf32, #tpu.memory_space<vmem>>
        %dma_wait3A_302 = arith.constant 0 : i32
        %dma_wait3A_303 = arith.constant 0 : i32
        %dma_wait3A_304 = tpu.memref_slice %arg2[%dma_wait3A_302, %dma_wait3A_303] : memref<32768x1024xf32, #tpu.memory_space<hbm>> -> memref<16x1024xf32, #tpu.memory_space<hbm>>
        tpu.wait_dma2 semaphore(%arg9 : memref<!tpu.dma_semaphore, #tpu.memory_space<semaphore_mem>>) src(%dma_wait3A_304 : memref<16x1024xf32, #tpu.memory_space<hbm>>) dst(%dma_wait3A_301 : memref<16x1024xf32, #tpu.memory_space<vmem>>)
        %dma_wait3A_305 = arith.constant 2 : i32
        %dma_wait3A_306 = arith.constant 0 : i32
        %dma_wait3A_307 = arith.constant 0 : i32
        %dma_wait3A_308 = tpu.memref_slice %arg6[%dma_wait3A_305, %dma_wait3A_306, %dma_wait3A_307] : memref<4x16x1024xf32, #tpu.memory_space<vmem>> -> memref<1x16x1024xf32, #tpu.memory_space<vmem>>
        %dma_wait3A_309 = tpu.memref_squeeze %dma_wait3A_308 : memref<1x16x1024xf32, #tpu.memory_space<vmem>> -> memref<16x1024xf32, #tpu.memory_space<vmem>>
        %dma_wait3A_310 = arith.constant 0 : i32
        %dma_wait3A_311 = arith.constant 0 : i32
        %dma_wait3A_312 = tpu.memref_slice %arg2[%dma_wait3A_310, %dma_wait3A_311] : memref<32768x1024xf32, #tpu.memory_space<hbm>> -> memref<16x1024xf32, #tpu.memory_space<hbm>>
        %dma_wait3A_313 = arith.constant 0 : i32
        %dma_wait3A_314 = arith.constant 0 : i32
        %dma_wait3A_315 = tpu.memref_slice %arg6[%dma_wait3A_305, %dma_wait3A_313, %dma_wait3A_314] : memref<4x16x1024xf32, #tpu.memory_space<vmem>> -> memref<1x16x1024xf32, #tpu.memory_space<vmem>>
        %dma_wait3A_316 = tpu.memref_squeeze %dma_wait3A_315 : memref<1x16x1024xf32, #tpu.memory_space<vmem>> -> memref<16x1024xf32, #tpu.memory_space<vmem>>
        %dma_wait3A_317 = arith.constant 0 : i32
        %dma_wait3A_318 = arith.constant 0 : i32
        %dma_wait3A_319 = tpu.memref_slice %arg2[%dma_wait3A_317, %dma_wait3A_318] : memref<32768x1024xf32, #tpu.memory_space<hbm>> -> memref<16x1024xf32, #tpu.memory_space<hbm>>
        tpu.wait_dma2 semaphore(%arg10 : memref<!tpu.dma_semaphore, #tpu.memory_space<semaphore_mem>>) src(%dma_wait3A_319 : memref<16x1024xf32, #tpu.memory_space<hbm>>) dst(%dma_wait3A_316 : memref<16x1024xf32, #tpu.memory_space<vmem>>)
        %dma_wait3A_320 = arith.constant 3 : i32
        %dma_wait3A_321 = arith.constant 0 : i32
        %dma_wait3A_322 = arith.constant 0 : i32
        %dma_wait3A_323 = tpu.memref_slice %arg6[%dma_wait3A_320, %dma_wait3A_321, %dma_wait3A_322] : memref<4x16x1024xf32, #tpu.memory_space<vmem>> -> memref<1x16x1024xf32, #tpu.memory_space<vmem>>
        %dma_wait3A_324 = tpu.memref_squeeze %dma_wait3A_323 : memref<1x16x1024xf32, #tpu.memory_space<vmem>> -> memref<16x1024xf32, #tpu.memory_space<vmem>>
        %dma_wait3A_325 = arith.constant 0 : i32
        %dma_wait3A_326 = arith.constant 0 : i32
        %dma_wait3A_327 = tpu.memref_slice %arg2[%dma_wait3A_325, %dma_wait3A_326] : memref<32768x1024xf32, #tpu.memory_space<hbm>> -> memref<16x1024xf32, #tpu.memory_space<hbm>>
        %dma_wait3A_328 = arith.constant 0 : i32
        %dma_wait3A_329 = arith.constant 0 : i32
        %dma_wait3A_330 = tpu.memref_slice %arg6[%dma_wait3A_320, %dma_wait3A_328, %dma_wait3A_329] : memref<4x16x1024xf32, #tpu.memory_space<vmem>> -> memref<1x16x1024xf32, #tpu.memory_space<vmem>>
        %dma_wait3A_331 = tpu.memref_squeeze %dma_wait3A_330 : memref<1x16x1024xf32, #tpu.memory_space<vmem>> -> memref<16x1024xf32, #tpu.memory_space<vmem>>
        %dma_wait3A_332 = arith.constant 0 : i32
        %dma_wait3A_333 = arith.constant 0 : i32
        %dma_wait3A_334 = tpu.memref_slice %arg2[%dma_wait3A_332, %dma_wait3A_333] : memref<32768x1024xf32, #tpu.memory_space<hbm>> -> memref<16x1024xf32, #tpu.memory_space<hbm>>
        tpu.wait_dma2 semaphore(%arg11 : memref<!tpu.dma_semaphore, #tpu.memory_space<semaphore_mem>>) src(%dma_wait3A_334 : memref<16x1024xf32, #tpu.memory_space<hbm>>) dst(%dma_wait3A_331 : memref<16x1024xf32, #tpu.memory_space<vmem>>)
      } else {
      }
      %add3A_79 = arith.constant 0 : i32
      %add3A_80 = arith.addi %add3A_79, %add3A_73 : i32
      %dma_start3A_81 = arith.constant 0 : i32
      %dma_start3A_82 = arith.constant 0 : i32
      %dma_start3A_83 = arith.constant 0 : i32
      %dma_start3A_84 = tpu.memref_slice %arg6[%dma_start3A_81, %dma_start3A_82, %dma_start3A_83] : memref<4x16x1024xf32, #tpu.memory_space<vmem>> -> memref<1x16x1024xf32, #tpu.memory_space<vmem>>
      %dma_start3A_85 = tpu.memref_squeeze %dma_start3A_84 : memref<1x16x1024xf32, #tpu.memory_space<vmem>> -> memref<16x1024xf32, #tpu.memory_space<vmem>>
      %dma_start3A_86 = arith.constant 0 : i32
      %dma_start3A_87 = tpu.memref_slice %arg2[%add3A_80, %dma_start3A_86] : memref<32768x1024xf32, #tpu.memory_space<hbm>> -> memref<16x1024xf32, #tpu.memory_space<hbm>>
      %dma_start3A_88 = arith.constant 0 : i32
      %dma_start3A_89 = arith.constant 0 : i32
      %dma_start3A_90 = tpu.memref_slice %arg6[%dma_start3A_81, %dma_start3A_88, %dma_start3A_89] : memref<4x16x1024xf32, #tpu.memory_space<vmem>> -> memref<1x16x1024xf32, #tpu.memory_space<vmem>>
      %dma_start3A_91 = tpu.memref_squeeze %dma_start3A_90 : memref<1x16x1024xf32, #tpu.memory_space<vmem>> -> memref<16x1024xf32, #tpu.memory_space<vmem>>
      %dma_start3A_92 = arith.constant 0 : i32
      %dma_start3A_93 = tpu.memref_slice %arg2[%add3A_80, %dma_start3A_92] : memref<32768x1024xf32, #tpu.memory_space<hbm>> -> memref<16x1024xf32, #tpu.memory_space<hbm>>
      tpu.enqueue_dma source(%dma_start3A_93 : memref<16x1024xf32, #tpu.memory_space<hbm>>) target(%dma_start3A_91 : memref<16x1024xf32, #tpu.memory_space<vmem>>) target_semaphore(%arg8 : memref<!tpu.dma_semaphore, #tpu.memory_space<semaphore_mem>>)
      %add3A_94 = arith.constant 8192 : i32
      %add3A_95 = arith.addi %add3A_94, %add3A_73 : i32
      %dma_start3A_96 = arith.constant 1 : i32
      %dma_start3A_97 = arith.constant 0 : i32
      %dma_start3A_98 = arith.constant 0 : i32
      %dma_start3A_99 = tpu.memref_slice %arg6[%dma_start3A_96, %dma_start3A_97, %dma_start3A_98] : memref<4x16x1024xf32, #tpu.memory_space<vmem>> -> memref<1x16x1024xf32, #tpu.memory_space<vmem>>
      %dma_start3A_100 = tpu.memref_squeeze %dma_start3A_99 : memref<1x16x1024xf32, #tpu.memory_space<vmem>> -> memref<16x1024xf32, #tpu.memory_space<vmem>>
      %dma_start3A_101 = arith.constant 0 : i32
      %dma_start3A_102 = tpu.memref_slice %arg2[%add3A_95, %dma_start3A_101] : memref<32768x1024xf32, #tpu.memory_space<hbm>> -> memref<16x1024xf32, #tpu.memory_space<hbm>>
      %dma_start3A_103 = arith.constant 0 : i32
      %dma_start3A_104 = arith.constant 0 : i32
      %dma_start3A_105 = tpu.memref_slice %arg6[%dma_start3A_96, %dma_start3A_103, %dma_start3A_104] : memref<4x16x1024xf32, #tpu.memory_space<vmem>> -> memref<1x16x1024xf32, #tpu.memory_space<vmem>>
      %dma_start3A_106 = tpu.memref_squeeze %dma_start3A_105 : memref<1x16x1024xf32, #tpu.memory_space<vmem>> -> memref<16x1024xf32, #tpu.memory_space<vmem>>
      %dma_start3A_107 = arith.constant 0 : i32
      %dma_start3A_108 = tpu.memref_slice %arg2[%add3A_95, %dma_start3A_107] : memref<32768x1024xf32, #tpu.memory_space<hbm>> -> memref<16x1024xf32, #tpu.memory_space<hbm>>
      tpu.enqueue_dma source(%dma_start3A_108 : memref<16x1024xf32, #tpu.memory_space<hbm>>) target(%dma_start3A_106 : memref<16x1024xf32, #tpu.memory_space<vmem>>) target_semaphore(%arg9 : memref<!tpu.dma_semaphore, #tpu.memory_space<semaphore_mem>>)
      %add3A_109 = arith.constant 16384 : i32
      %add3A_110 = arith.addi %add3A_109, %add3A_73 : i32
      %dma_start3A_111 = arith.constant 2 : i32
      %dma_start3A_112 = arith.constant 0 : i32
      %dma_start3A_113 = arith.constant 0 : i32
      %dma_start3A_114 = tpu.memref_slice %arg6[%dma_start3A_111, %dma_start3A_112, %dma_start3A_113] : memref<4x16x1024xf32, #tpu.memory_space<vmem>> -> memref<1x16x1024xf32, #tpu.memory_space<vmem>>
      %dma_start3A_115 = tpu.memref_squeeze %dma_start3A_114 : memref<1x16x1024xf32, #tpu.memory_space<vmem>> -> memref<16x1024xf32, #tpu.memory_space<vmem>>
      %dma_start3A_116 = arith.constant 0 : i32
      %dma_start3A_117 = tpu.memref_slice %arg2[%add3A_110, %dma_start3A_116] : memref<32768x1024xf32, #tpu.memory_space<hbm>> -> memref<16x1024xf32, #tpu.memory_space<hbm>>
      %dma_start3A_118 = arith.constant 0 : i32
      %dma_start3A_119 = arith.constant 0 : i32
      %dma_start3A_120 = tpu.memref_slice %arg6[%dma_start3A_111, %dma_start3A_118, %dma_start3A_119] : memref<4x16x1024xf32, #tpu.memory_space<vmem>> -> memref<1x16x1024xf32, #tpu.memory_space<vmem>>
      %dma_start3A_121 = tpu.memref_squeeze %dma_start3A_120 : memref<1x16x1024xf32, #tpu.memory_space<vmem>> -> memref<16x1024xf32, #tpu.memory_space<vmem>>
      %dma_start3A_122 = arith.constant 0 : i32
      %dma_start3A_123 = tpu.memref_slice %arg2[%add3A_110, %dma_start3A_122] : memref<32768x1024xf32, #tpu.memory_space<hbm>> -> memref<16x1024xf32, #tpu.memory_space<hbm>>
      tpu.enqueue_dma source(%dma_start3A_123 : memref<16x1024xf32, #tpu.memory_space<hbm>>) target(%dma_start3A_121 : memref<16x1024xf32, #tpu.memory_space<vmem>>) target_semaphore(%arg10 : memref<!tpu.dma_semaphore, #tpu.memory_space<semaphore_mem>>)
      %add3A_124 = arith.constant 24576 : i32
      %add3A_125 = arith.addi %add3A_124, %add3A_73 : i32
      %dma_start3A_126 = arith.constant 3 : i32
      %dma_start3A_127 = arith.constant 0 : i32
      %dma_start3A_128 = arith.constant 0 : i32
      %dma_start3A_129 = tpu.memref_slice %arg6[%dma_start3A_126, %dma_start3A_127, %dma_start3A_128] : memref<4x16x1024xf32, #tpu.memory_space<vmem>> -> memref<1x16x1024xf32, #tpu.memory_space<vmem>>
      %dma_start3A_130 = tpu.memref_squeeze %dma_start3A_129 : memref<1x16x1024xf32, #tpu.memory_space<vmem>> -> memref<16x1024xf32, #tpu.memory_space<vmem>>
      %dma_start3A_131 = arith.constant 0 : i32
      %dma_start3A_132 = tpu.memref_slice %arg2[%add3A_125, %dma_start3A_131] : memref<32768x1024xf32, #tpu.memory_space<hbm>> -> memref<16x1024xf32, #tpu.memory_space<hbm>>
      %dma_start3A_133 = arith.constant 0 : i32
      %dma_start3A_134 = arith.constant 0 : i32
      %dma_start3A_135 = tpu.memref_slice %arg6[%dma_start3A_126, %dma_start3A_133, %dma_start3A_134] : memref<4x16x1024xf32, #tpu.memory_space<vmem>> -> memref<1x16x1024xf32, #tpu.memory_space<vmem>>
      %dma_start3A_136 = tpu.memref_squeeze %dma_start3A_135 : memref<1x16x1024xf32, #tpu.memory_space<vmem>> -> memref<16x1024xf32, #tpu.memory_space<vmem>>
      %dma_start3A_137 = arith.constant 0 : i32
      %dma_start3A_138 = tpu.memref_slice %arg2[%add3A_125, %dma_start3A_137] : memref<32768x1024xf32, #tpu.memory_space<hbm>> -> memref<16x1024xf32, #tpu.memory_space<hbm>>
      tpu.enqueue_dma source(%dma_start3A_138 : memref<16x1024xf32, #tpu.memory_space<hbm>>) target(%dma_start3A_136 : memref<16x1024xf32, #tpu.memory_space<vmem>>) target_semaphore(%arg11 : memref<!tpu.dma_semaphore, #tpu.memory_space<semaphore_mem>>)
      %dma_wait3A_139 = arith.constant 0 : i32
      %dma_wait3A_140 = tpu.memref_slice %arg3[%add3A_73, %dma_wait3A_139] : memref<8192x1024xf32, #tpu.memory_space<hbm>> -> memref<16x1024xf32, #tpu.memory_space<hbm>>
      %dma_wait3A_141 = arith.constant 0 : i32
      %dma_wait3A_142 = tpu.memref_slice %arg3[%add3A_73, %dma_wait3A_141] : memref<8192x1024xf32, #tpu.memory_space<hbm>> -> memref<16x1024xf32, #tpu.memory_space<hbm>>
      tpu.wait_dma2 semaphore(%arg7 : memref<!tpu.dma_semaphore, #tpu.memory_space<semaphore_mem>>) src(%dma_wait3A_142 : memref<16x1024xf32, #tpu.memory_space<hbm>>) dst(%arg5 : memref<16x1024xf32, #tpu.memory_space<vmem>>)
      %dma_wait3A_143 = arith.constant 0 : i32
      %dma_wait3A_144 = arith.constant 0 : i32
      %dma_wait3A_145 = arith.constant 0 : i32
      %dma_wait3A_146 = tpu.memref_slice %arg6[%dma_wait3A_143, %dma_wait3A_144, %dma_wait3A_145] : memref<4x16x1024xf32, #tpu.memory_space<vmem>> -> memref<1x16x1024xf32, #tpu.memory_space<vmem>>
      %dma_wait3A_147 = tpu.memref_squeeze %dma_wait3A_146 : memref<1x16x1024xf32, #tpu.memory_space<vmem>> -> memref<16x1024xf32, #tpu.memory_space<vmem>>
      %dma_wait3A_148 = arith.constant 0 : i32
      %dma_wait3A_149 = tpu.memref_slice %arg2[%add3A_80, %dma_wait3A_148] : memref<32768x1024xf32, #tpu.memory_space<hbm>> -> memref<16x1024xf32, #tpu.memory_space<hbm>>
      %dma_wait3A_150 = arith.constant 0 : i32
      %dma_wait3A_151 = arith.constant 0 : i32
      %dma_wait3A_152 = tpu.memref_slice %arg6[%dma_wait3A_143, %dma_wait3A_150, %dma_wait3A_151] : memref<4x16x1024xf32, #tpu.memory_space<vmem>> -> memref<1x16x1024xf32, #tpu.memory_space<vmem>>
      %dma_wait3A_153 = tpu.memref_squeeze %dma_wait3A_152 : memref<1x16x1024xf32, #tpu.memory_space<vmem>> -> memref<16x1024xf32, #tpu.memory_space<vmem>>
      %dma_wait3A_154 = arith.constant 0 : i32
      %dma_wait3A_155 = tpu.memref_slice %arg2[%add3A_80, %dma_wait3A_154] : memref<32768x1024xf32, #tpu.memory_space<hbm>> -> memref<16x1024xf32, #tpu.memory_space<hbm>>
      tpu.wait_dma2 semaphore(%arg8 : memref<!tpu.dma_semaphore, #tpu.memory_space<semaphore_mem>>) src(%dma_wait3A_155 : memref<16x1024xf32, #tpu.memory_space<hbm>>) dst(%dma_wait3A_153 : memref<16x1024xf32, #tpu.memory_space<vmem>>)
      %scan3A_156 = arith.constant 0 : i32
      %scan3A_157 = arith.constant 16 : i32
      %scan3A_158 = arith.addi %scan3A_156, %scan3A_157 : i32
      %scan3A_159 = arith.constant 1 : i32
      scf.for %scan3A_275 = %scan3A_156 to %scan3A_158 step %scan3A_159  : i32 {
        %mul3A_276 = arith.constant 1 : i32
        %mul3A_277 = arith.muli %scan3A_275, %mul3A_276 : i32
        %add3A_278 = arith.constant 0 : i32
        %add3A_279 = arith.addi %add3A_278, %mul3A_277 : i32
        %parallel_loop3A = arith.constant 0 : i32
        %parallel_loop3A_280 = arith.constant 1024 : i32
        %parallel_loop3A_281 = arith.constant 16 : i32
        scf.for %parallel_loop3A_282 = %parallel_loop3A to %parallel_loop3A_280 step %parallel_loop3A_281  : i32 {
          %parallel_loop3A_283 = arith.index_cast %add3A_279 : i32 to index
          %parallel_loop3A_284 = arith.index_cast %parallel_loop3A_282 : i32 to index
          %parallel_loop3A_285 = tpu.vector_load %arg5[%parallel_loop3A_283, %parallel_loop3A_284] {strides = array<i32>} : memref<16x1024xf32, #tpu.memory_space<vmem>>, vector<1x16xf32>,
          %parallel_loop3A_286 = vector.shape_cast %parallel_loop3A_285 : vector<1x16xf32> to vector<16xf32>
          %parallel_loop3A_287 = arith.constant 0 : i32
          %parallel_loop3A_288 = arith.constant 0 : i32
          %parallel_loop3A_289 = arith.constant 0 : i32
          %parallel_loop3A_290 = tpu.memref_slice %arg6[%parallel_loop3A_287, %parallel_loop3A_288, %parallel_loop3A_289] : memref<4x16x1024xf32, #tpu.memory_space<vmem>> -> memref<1x16x1024xf32, #tpu.memory_space<vmem>>
          %parallel_loop3A_291 = tpu.memref_squeeze %parallel_loop3A_290 : memref<1x16x1024xf32, #tpu.memory_space<vmem>> -> memref<16x1024xf32, #tpu.memory_space<vmem>>
          %parallel_loop3A_292 = arith.index_cast %add3A_279 : i32 to index
          %parallel_loop3A_293 = arith.index_cast %parallel_loop3A_282 : i32 to index
          %parallel_loop3A_294 = tpu.vector_load %parallel_loop3A_291[%parallel_loop3A_292, %parallel_loop3A_293] {strides = array<i32>} : memref<16x1024xf32, #tpu.memory_space<vmem>>, vector<1x16xf32>,
          %parallel_loop3A_295 = vector.shape_cast %parallel_loop3A_294 : vector<1x16xf32> to vector<16xf32>
          %parallel_loop3A_296 = vector.shape_cast %parallel_loop3A_286 : vector<16xf32> to vector<1x16xf32>
          tpu.vector_store %parallel_loop3A_291[%parallel_loop3A_292, %parallel_loop3A_293], %parallel_loop3A_296 {add = true, strides = array<i32>} : memref<16x1024xf32, #tpu.memory_space<vmem>>, vector<1x16xf32>,
        } {sc.loop_unroll_factor = 8 : i64, sc.parallel_access}
      }
      %scan3A_160 = arith.constant 16 : i32
      %add3A_161 = arith.constant 0 : i32
      %add3A_162 = arith.addi %add3A_161, %add3A_73 : i32
      %dma_start3A_163 = arith.constant 0 : i32
      %dma_start3A_164 = arith.constant 0 : i32
      %dma_start3A_165 = arith.constant 0 : i32
      %dma_start3A_166 = tpu.memref_slice %arg6[%dma_start3A_163, %dma_start3A_164, %dma_start3A_165] : memref<4x16x1024xf32, #tpu.memory_space<vmem>> -> memref<1x16x1024xf32, #tpu.memory_space<vmem>>
      %dma_start3A_167 = tpu.memref_squeeze %dma_start3A_166 : memref<1x16x1024xf32, #tpu.memory_space<vmem>> -> memref<16x1024xf32, #tpu.memory_space<vmem>>
      %dma_start3A_168 = arith.constant 0 : i32
      %dma_start3A_169 = tpu.memref_slice %arg4[%add3A_162, %dma_start3A_168] : memref<4096x1024xf32, #tpu.memory_space<hbm>> -> memref<16x1024xf32, #tpu.memory_space<hbm>>
      %dma_start3A_170 = arith.constant 0 : i32
      %dma_start3A_171 = tpu.memref_slice %arg4[%add3A_162, %dma_start3A_170] : memref<4096x1024xf32, #tpu.memory_space<hbm>> -> memref<16x1024xf32, #tpu.memory_space<hbm>>
      %dma_start3A_172 = arith.constant 0 : i32
      %dma_start3A_173 = arith.constant 0 : i32
      %dma_start3A_174 = tpu.memref_slice %arg6[%dma_start3A_163, %dma_start3A_172, %dma_start3A_173] : memref<4x16x1024xf32, #tpu.memory_space<vmem>> -> memref<1x16x1024xf32, #tpu.memory_space<vmem>>
      %dma_start3A_175 = tpu.memref_squeeze %dma_start3A_174 : memref<1x16x1024xf32, #tpu.memory_space<vmem>> -> memref<16x1024xf32, #tpu.memory_space<vmem>>
      tpu.enqueue_dma source(%dma_start3A_175 : memref<16x1024xf32, #tpu.memory_space<vmem>>) target(%dma_start3A_171 : memref<16x1024xf32, #tpu.memory_space<hbm>>) target_semaphore(%arg8 : memref<!tpu.dma_semaphore, #tpu.memory_space<semaphore_mem>>)
      %dma_wait3A_176 = arith.constant 1 : i32
      %dma_wait3A_177 = arith.constant 0 : i32
      %dma_wait3A_178 = arith.constant 0 : i32
      %dma_wait3A_179 = tpu.memref_slice %arg6[%dma_wait3A_176, %dma_wait3A_177, %dma_wait3A_178] : memref<4x16x1024xf32, #tpu.memory_space<vmem>> -> memref<1x16x1024xf32, #tpu.memory_space<vmem>>
      %dma_wait3A_180 = tpu.memref_squeeze %dma_wait3A_179 : memref<1x16x1024xf32, #tpu.memory_space<vmem>> -> memref<16x1024xf32, #tpu.memory_space<vmem>>
      %dma_wait3A_181 = arith.constant 0 : i32
      %dma_wait3A_182 = tpu.memref_slice %arg2[%add3A_95, %dma_wait3A_181] : memref<32768x1024xf32, #tpu.memory_space<hbm>> -> memref<16x1024xf32, #tpu.memory_space<hbm>>
      %dma_wait3A_183 = arith.constant 0 : i32
      %dma_wait3A_184 = arith.constant 0 : i32
      %dma_wait3A_185 = tpu.memref_slice %arg6[%dma_wait3A_176, %dma_wait3A_183, %dma_wait3A_184] : memref<4x16x1024xf32, #tpu.memory_space<vmem>> -> memref<1x16x1024xf32, #tpu.memory_space<vmem>>
      %dma_wait3A_186 = tpu.memref_squeeze %dma_wait3A_185 : memref<1x16x1024xf32, #tpu.memory_space<vmem>> -> memref<16x1024xf32, #tpu.memory_space<vmem>>
      %dma_wait3A_187 = arith.constant 0 : i32
      %dma_wait3A_188 = tpu.memref_slice %arg2[%add3A_95, %dma_wait3A_187] : memref<32768x1024xf32, #tpu.memory_space<hbm>> -> memref<16x1024xf32, #tpu.memory_space<hbm>>
      tpu.wait_dma2 semaphore(%arg9 : memref<!tpu.dma_semaphore, #tpu.memory_space<semaphore_mem>>) src(%dma_wait3A_188 : memref<16x1024xf32, #tpu.memory_space<hbm>>) dst(%dma_wait3A_186 : memref<16x1024xf32, #tpu.memory_space<vmem>>)
      %scan3A_189 = arith.constant 0 : i32
      %scan3A_190 = arith.constant 16 : i32
      %scan3A_191 = arith.addi %scan3A_189, %scan3A_190 : i32
      %scan3A_192 = arith.constant 1 : i32
      scf.for %scan3A_275 = %scan3A_189 to %scan3A_191 step %scan3A_192  : i32 {
        %mul3A_276 = arith.constant 1 : i32
        %mul3A_277 = arith.muli %scan3A_275, %mul3A_276 : i32
        %add3A_278 = arith.constant 0 : i32
        %add3A_279 = arith.addi %add3A_278, %mul3A_277 : i32
        %parallel_loop3A = arith.constant 0 : i32
        %parallel_loop3A_280 = arith.constant 1024 : i32
        %parallel_loop3A_281 = arith.constant 16 : i32
        scf.for %parallel_loop3A_282 = %parallel_loop3A to %parallel_loop3A_280 step %parallel_loop3A_281  : i32 {
          %parallel_loop3A_283 = arith.index_cast %add3A_279 : i32 to index
          %parallel_loop3A_284 = arith.index_cast %parallel_loop3A_282 : i32 to index
          %parallel_loop3A_285 = tpu.vector_load %arg5[%parallel_loop3A_283, %parallel_loop3A_284] {strides = array<i32>} : memref<16x1024xf32, #tpu.memory_space<vmem>>, vector<1x16xf32>,
          %parallel_loop3A_286 = vector.shape_cast %parallel_loop3A_285 : vector<1x16xf32> to vector<16xf32>
          %parallel_loop3A_287 = arith.constant 1 : i32
          %parallel_loop3A_288 = arith.constant 0 : i32
          %parallel_loop3A_289 = arith.constant 0 : i32
          %parallel_loop3A_290 = tpu.memref_slice %arg6[%parallel_loop3A_287, %parallel_loop3A_288, %parallel_loop3A_289] : memref<4x16x1024xf32, #tpu.memory_space<vmem>> -> memref<1x16x1024xf32, #tpu.memory_space<vmem>>
          %parallel_loop3A_291 = tpu.memref_squeeze %parallel_loop3A_290 : memref<1x16x1024xf32, #tpu.memory_space<vmem>> -> memref<16x1024xf32, #tpu.memory_space<vmem>>
          %parallel_loop3A_292 = arith.index_cast %add3A_279 : i32 to index
          %parallel_loop3A_293 = arith.index_cast %parallel_loop3A_282 : i32 to index
          %parallel_loop3A_294 = tpu.vector_load %parallel_loop3A_291[%parallel_loop3A_292, %parallel_loop3A_293] {strides = array<i32>} : memref<16x1024xf32, #tpu.memory_space<vmem>>, vector<1x16xf32>,
          %parallel_loop3A_295 = vector.shape_cast %parallel_loop3A_294 : vector<1x16xf32> to vector<16xf32>
          %parallel_loop3A_296 = vector.shape_cast %parallel_loop3A_286 : vector<16xf32> to vector<1x16xf32>
          tpu.vector_store %parallel_loop3A_291[%parallel_loop3A_292, %parallel_loop3A_293], %parallel_loop3A_296 {add = true, strides = array<i32>} : memref<16x1024xf32, #tpu.memory_space<vmem>>, vector<1x16xf32>,
        } {sc.loop_unroll_factor = 8 : i64, sc.parallel_access}
      }
      %scan3A_193 = arith.constant 16 : i32
      %add3A_194 = arith.constant 1024 : i32
      %add3A_195 = arith.addi %add3A_194, %add3A_73 : i32
      %dma_start3A_196 = arith.constant 1 : i32
      %dma_start3A_197 = arith.constant 0 : i32
      %dma_start3A_198 = arith.constant 0 : i32
      %dma_start3A_199 = tpu.memref_slice %arg6[%dma_start3A_196, %dma_start3A_197, %dma_start3A_198] : memref<4x16x1024xf32, #tpu.memory_space<vmem>> -> memref<1x16x1024xf32, #tpu.memory_space<vmem>>
      %dma_start3A_200 = tpu.memref_squeeze %dma_start3A_199 : memref<1x16x1024xf32, #tpu.memory_space<vmem>> -> memref<16x1024xf32, #tpu.memory_space<vmem>>
      %dma_start3A_201 = arith.constant 0 : i32
      %dma_start3A_202 = tpu.memref_slice %arg4[%add3A_195, %dma_start3A_201] : memref<4096x1024xf32, #tpu.memory_space<hbm>> -> memref<16x1024xf32, #tpu.memory_space<hbm>>
      %dma_start3A_203 = arith.constant 0 : i32
      %dma_start3A_204 = tpu.memref_slice %arg4[%add3A_195, %dma_start3A_203] : memref<4096x1024xf32, #tpu.memory_space<hbm>> -> memref<16x1024xf32, #tpu.memory_space<hbm>>
      %dma_start3A_205 = arith.constant 0 : i32
      %dma_start3A_206 = arith.constant 0 : i32
      %dma_start3A_207 = tpu.memref_slice %arg6[%dma_start3A_196, %dma_start3A_205, %dma_start3A_206] : memref<4x16x1024xf32, #tpu.memory_space<vmem>> -> memref<1x16x1024xf32, #tpu.memory_space<vmem>>
      %dma_start3A_208 = tpu.memref_squeeze %dma_start3A_207 : memref<1x16x1024xf32, #tpu.memory_space<vmem>> -> memref<16x1024xf32, #tpu.memory_space<vmem>>
      tpu.enqueue_dma source(%dma_start3A_208 : memref<16x1024xf32, #tpu.memory_space<vmem>>) target(%dma_start3A_204 : memref<16x1024xf32, #tpu.memory_space<hbm>>) target_semaphore(%arg9 : memref<!tpu.dma_semaphore, #tpu.memory_space<semaphore_mem>>)
      %dma_wait3A_209 = arith.constant 2 : i32
      %dma_wait3A_210 = arith.constant 0 : i32
      %dma_wait3A_211 = arith.constant 0 : i32
      %dma_wait3A_212 = tpu.memref_slice %arg6[%dma_wait3A_209, %dma_wait3A_210, %dma_wait3A_211] : memref<4x16x1024xf32, #tpu.memory_space<vmem>> -> memref<1x16x1024xf32, #tpu.memory_space<vmem>>
      %dma_wait3A_213 = tpu.memref_squeeze %dma_wait3A_212 : memref<1x16x1024xf32, #tpu.memory_space<vmem>> -> memref<16x1024xf32, #tpu.memory_space<vmem>>
      %dma_wait3A_214 = arith.constant 0 : i32
      %dma_wait3A_215 = tpu.memref_slice %arg2[%add3A_110, %dma_wait3A_214] : memref<32768x1024xf32, #tpu.memory_space<hbm>> -> memref<16x1024xf32, #tpu.memory_space<hbm>>
      %dma_wait3A_216 = arith.constant 0 : i32
      %dma_wait3A_217 = arith.constant 0 : i32
      %dma_wait3A_218 = tpu.memref_slice %arg6[%dma_wait3A_209, %dma_wait3A_216, %dma_wait3A_217] : memref<4x16x1024xf32, #tpu.memory_space<vmem>> -> memref<1x16x1024xf32, #tpu.memory_space<vmem>>
      %dma_wait3A_219 = tpu.memref_squeeze %dma_wait3A_218 : memref<1x16x1024xf32, #tpu.memory_space<vmem>> -> memref<16x1024xf32, #tpu.memory_space<vmem>>
      %dma_wait3A_220 = arith.constant 0 : i32
      %dma_wait3A_221 = tpu.memref_slice %arg2[%add3A_110, %dma_wait3A_220] : memref<32768x1024xf32, #tpu.memory_space<hbm>> -> memref<16x1024xf32, #tpu.memory_space<hbm>>
      tpu.wait_dma2 semaphore(%arg10 : memref<!tpu.dma_semaphore, #tpu.memory_space<semaphore_mem>>) src(%dma_wait3A_221 : memref<16x1024xf32, #tpu.memory_space<hbm>>) dst(%dma_wait3A_219 : memref<16x1024xf32, #tpu.memory_space<vmem>>)
      %scan3A_222 = arith.constant 0 : i32
      %scan3A_223 = arith.constant 16 : i32
      %scan3A_224 = arith.addi %scan3A_222, %scan3A_223 : i32
      %scan3A_225 = arith.constant 1 : i32
      scf.for %scan3A_275 = %scan3A_222 to %scan3A_224 step %scan3A_225  : i32 {
        %mul3A_276 = arith.constant 1 : i32
        %mul3A_277 = arith.muli %scan3A_275, %mul3A_276 : i32
        %add3A_278 = arith.constant 0 : i32
        %add3A_279 = arith.addi %add3A_278, %mul3A_277 : i32
        %parallel_loop3A = arith.constant 0 : i32
        %parallel_loop3A_280 = arith.constant 1024 : i32
        %parallel_loop3A_281 = arith.constant 16 : i32
        scf.for %parallel_loop3A_282 = %parallel_loop3A to %parallel_loop3A_280 step %parallel_loop3A_281  : i32 {
          %parallel_loop3A_283 = arith.index_cast %add3A_279 : i32 to index
          %parallel_loop3A_284 = arith.index_cast %parallel_loop3A_282 : i32 to index
          %parallel_loop3A_285 = tpu.vector_load %arg5[%parallel_loop3A_283, %parallel_loop3A_284] {strides = array<i32>} : memref<16x1024xf32, #tpu.memory_space<vmem>>, vector<1x16xf32>,
          %parallel_loop3A_286 = vector.shape_cast %parallel_loop3A_285 : vector<1x16xf32> to vector<16xf32>
          %parallel_loop3A_287 = arith.constant 2 : i32
          %parallel_loop3A_288 = arith.constant 0 : i32
          %parallel_loop3A_289 = arith.constant 0 : i32
          %parallel_loop3A_290 = tpu.memref_slice %arg6[%parallel_loop3A_287, %parallel_loop3A_288, %parallel_loop3A_289] : memref<4x16x1024xf32, #tpu.memory_space<vmem>> -> memref<1x16x1024xf32, #tpu.memory_space<vmem>>
          %parallel_loop3A_291 = tpu.memref_squeeze %parallel_loop3A_290 : memref<1x16x1024xf32, #tpu.memory_space<vmem>> -> memref<16x1024xf32, #tpu.memory_space<vmem>>
          %parallel_loop3A_292 = arith.index_cast %add3A_279 : i32 to index
          %parallel_loop3A_293 = arith.index_cast %parallel_loop3A_282 : i32 to index
          %parallel_loop3A_294 = tpu.vector_load %parallel_loop3A_291[%parallel_loop3A_292, %parallel_loop3A_293] {strides = array<i32>} : memref<16x1024xf32, #tpu.memory_space<vmem>>, vector<1x16xf32>,
          %parallel_loop3A_295 = vector.shape_cast %parallel_loop3A_294 : vector<1x16xf32> to vector<16xf32>
          %parallel_loop3A_296 = vector.shape_cast %parallel_loop3A_286 : vector<16xf32> to vector<1x16xf32>
          tpu.vector_store %parallel_loop3A_291[%parallel_loop3A_292, %parallel_loop3A_293], %parallel_loop3A_296 {add = true, strides = array<i32>} : memref<16x1024xf32, #tpu.memory_space<vmem>>, vector<1x16xf32>,
        } {sc.loop_unroll_factor = 8 : i64, sc.parallel_access}
      }
      %scan3A_226 = arith.constant 16 : i32
      %add3A_227 = arith.constant 2048 : i32
      %add3A_228 = arith.addi %add3A_227, %add3A_73 : i32
      %dma_start3A_229 = arith.constant 2 : i32
      %dma_start3A_230 = arith.constant 0 : i32
      %dma_start3A_231 = arith.constant 0 : i32
      %dma_start3A_232 = tpu.memref_slice %arg6[%dma_start3A_229, %dma_start3A_230, %dma_start3A_231] : memref<4x16x1024xf32, #tpu.memory_space<vmem>> -> memref<1x16x1024xf32, #tpu.memory_space<vmem>>
      %dma_start3A_233 = tpu.memref_squeeze %dma_start3A_232 : memref<1x16x1024xf32, #tpu.memory_space<vmem>> -> memref<16x1024xf32, #tpu.memory_space<vmem>>
      %dma_start3A_234 = arith.constant 0 : i32
      %dma_start3A_235 = tpu.memref_slice %arg4[%add3A_228, %dma_start3A_234] : memref<4096x1024xf32, #tpu.memory_space<hbm>> -> memref<16x1024xf32, #tpu.memory_space<hbm>>
      %dma_start3A_236 = arith.constant 0 : i32
      %dma_start3A_237 = tpu.memref_slice %arg4[%add3A_228, %dma_start3A_236] : memref<4096x1024xf32, #tpu.memory_space<hbm>> -> memref<16x1024xf32, #tpu.memory_space<hbm>>
      %dma_start3A_238 = arith.constant 0 : i32
      %dma_start3A_239 = arith.constant 0 : i32
      %dma_start3A_240 = tpu.memref_slice %arg6[%dma_start3A_229, %dma_start3A_238, %dma_start3A_239] : memref<4x16x1024xf32, #tpu.memory_space<vmem>> -> memref<1x16x1024xf32, #tpu.memory_space<vmem>>
      %dma_start3A_241 = tpu.memref_squeeze %dma_start3A_240 : memref<1x16x1024xf32, #tpu.memory_space<vmem>> -> memref<16x1024xf32, #tpu.memory_space<vmem>>
      tpu.enqueue_dma source(%dma_start3A_241 : memref<16x1024xf32, #tpu.memory_space<vmem>>) target(%dma_start3A_237 : memref<16x1024xf32, #tpu.memory_space<hbm>>) target_semaphore(%arg10 : memref<!tpu.dma_semaphore, #tpu.memory_space<semaphore_mem>>)
      %dma_wait3A_242 = arith.constant 3 : i32
      %dma_wait3A_243 = arith.constant 0 : i32
      %dma_wait3A_244 = arith.constant 0 : i32
      %dma_wait3A_245 = tpu.memref_slice %arg6[%dma_wait3A_242, %dma_wait3A_243, %dma_wait3A_244] : memref<4x16x1024xf32, #tpu.memory_space<vmem>> -> memref<1x16x1024xf32, #tpu.memory_space<vmem>>
      %dma_wait3A_246 = tpu.memref_squeeze %dma_wait3A_245 : memref<1x16x1024xf32, #tpu.memory_space<vmem>> -> memref<16x1024xf32, #tpu.memory_space<vmem>>
      %dma_wait3A_247 = arith.constant 0 : i32
      %dma_wait3A_248 = tpu.memref_slice %arg2[%add3A_125, %dma_wait3A_247] : memref<32768x1024xf32, #tpu.memory_space<hbm>> -> memref<16x1024xf32, #tpu.memory_space<hbm>>
      %dma_wait3A_249 = arith.constant 0 : i32
      %dma_wait3A_250 = arith.constant 0 : i32
      %dma_wait3A_251 = tpu.memref_slice %arg6[%dma_wait3A_242, %dma_wait3A_249, %dma_wait3A_250] : memref<4x16x1024xf32, #tpu.memory_space<vmem>> -> memref<1x16x1024xf32, #tpu.memory_space<vmem>>
      %dma_wait3A_252 = tpu.memref_squeeze %dma_wait3A_251 : memref<1x16x1024xf32, #tpu.memory_space<vmem>> -> memref<16x1024xf32, #tpu.memory_space<vmem>>
      %dma_wait3A_253 = arith.constant 0 : i32
      %dma_wait3A_254 = tpu.memref_slice %arg2[%add3A_125, %dma_wait3A_253] : memref<32768x1024xf32, #tpu.memory_space<hbm>> -> memref<16x1024xf32, #tpu.memory_space<hbm>>
      tpu.wait_dma2 semaphore(%arg11 : memref<!tpu.dma_semaphore, #tpu.memory_space<semaphore_mem>>) src(%dma_wait3A_254 : memref<16x1024xf32, #tpu.memory_space<hbm>>) dst(%dma_wait3A_252 : memref<16x1024xf32, #tpu.memory_space<vmem>>)
      %scan3A_255 = arith.constant 0 : i32
      %scan3A_256 = arith.constant 16 : i32
      %scan3A_257 = arith.addi %scan3A_255, %scan3A_256 : i32
      %scan3A_258 = arith.constant 1 : i32
      scf.for %scan3A_275 = %scan3A_255 to %scan3A_257 step %scan3A_258  : i32 {
        %mul3A_276 = arith.constant 1 : i32
        %mul3A_277 = arith.muli %scan3A_275, %mul3A_276 : i32
        %add3A_278 = arith.constant 0 : i32
        %add3A_279 = arith.addi %add3A_278, %mul3A_277 : i32
        %parallel_loop3A = arith.constant 0 : i32
        %parallel_loop3A_280 = arith.constant 1024 : i32
        %parallel_loop3A_281 = arith.constant 16 : i32
        scf.for %parallel_loop3A_282 = %parallel_loop3A to %parallel_loop3A_280 step %parallel_loop3A_281  : i32 {
          %parallel_loop3A_283 = arith.index_cast %add3A_279 : i32 to index
          %parallel_loop3A_284 = arith.index_cast %parallel_loop3A_282 : i32 to index
          %parallel_loop3A_285 = tpu.vector_load %arg5[%parallel_loop3A_283, %parallel_loop3A_284] {strides = array<i32>} : memref<16x1024xf32, #tpu.memory_space<vmem>>, vector<1x16xf32>,
          %parallel_loop3A_286 = vector.shape_cast %parallel_loop3A_285 : vector<1x16xf32> to vector<16xf32>
          %parallel_loop3A_287 = arith.constant 3 : i32
          %parallel_loop3A_288 = arith.constant 0 : i32
          %parallel_loop3A_289 = arith.constant 0 : i32
          %parallel_loop3A_290 = tpu.memref_slice %arg6[%parallel_loop3A_287, %parallel_loop3A_288, %parallel_loop3A_289] : memref<4x16x1024xf32, #tpu.memory_space<vmem>> -> memref<1x16x1024xf32, #tpu.memory_space<vmem>>
          %parallel_loop3A_291 = tpu.memref_squeeze %parallel_loop3A_290 : memref<1x16x1024xf32, #tpu.memory_space<vmem>> -> memref<16x1024xf32, #tpu.memory_space<vmem>>
          %parallel_loop3A_292 = arith.index_cast %add3A_279 : i32 to index
          %parallel_loop3A_293 = arith.index_cast %parallel_loop3A_282 : i32 to index
          %parallel_loop3A_294 = tpu.vector_load %parallel_loop3A_291[%parallel_loop3A_292, %parallel_loop3A_293] {strides = array<i32>} : memref<16x1024xf32, #tpu.memory_space<vmem>>, vector<1x16xf32>,
          %parallel_loop3A_295 = vector.shape_cast %parallel_loop3A_294 : vector<1x16xf32> to vector<16xf32>
          %parallel_loop3A_296 = vector.shape_cast %parallel_loop3A_286 : vector<16xf32> to vector<1x16xf32>
          tpu.vector_store %parallel_loop3A_291[%parallel_loop3A_292, %parallel_loop3A_293], %parallel_loop3A_296 {add = true, strides = array<i32>} : memref<16x1024xf32, #tpu.memory_space<vmem>>, vector<1x16xf32>,
        } {sc.loop_unroll_factor = 8 : i64, sc.parallel_access}
      }
      %scan3A_259 = arith.constant 16 : i32
      %add3A_260 = arith.constant 3072 : i32
      %add3A_261 = arith.addi %add3A_260, %add3A_73 : i32
      %dma_start3A_262 = arith.constant 3 : i32
      %dma_start3A_263 = arith.constant 0 : i32
      %dma_start3A_264 = arith.constant 0 : i32
      %dma_start3A_265 = tpu.memref_slice %arg6[%dma_start3A_262, %dma_start3A_263, %dma_start3A_264] : memref<4x16x1024xf32, #tpu.memory_space<vmem>> -> memref<1x16x1024xf32, #tpu.memory_space<vmem>>
      %dma_start3A_266 = tpu.memref_squeeze %dma_start3A_265 : memref<1x16x1024xf32, #tpu.memory_space<vmem>> -> memref<16x1024xf32, #tpu.memory_space<vmem>>
      %dma_start3A_267 = arith.constant 0 : i32
      %dma_start3A_268 = tpu.memref_slice %arg4[%add3A_261, %dma_start3A_267] : memref<4096x1024xf32, #tpu.memory_space<hbm>> -> memref<16x1024xf32, #tpu.memory_space<hbm>>
      %dma_start3A_269 = arith.constant 0 : i32
      %dma_start3A_270 = tpu.memref_slice %arg4[%add3A_261, %dma_start3A_269] : memref<4096x1024xf32, #tpu.memory_space<hbm>> -> memref<16x1024xf32, #tpu.memory_space<hbm>>
      %dma_start3A_271 = arith.constant 0 : i32
      %dma_start3A_272 = arith.constant 0 : i32
      %dma_start3A_273 = tpu.memref_slice %arg6[%dma_start3A_262, %dma_start3A_271, %dma_start3A_272] : memref<4x16x1024xf32, #tpu.memory_space<vmem>> -> memref<1x16x1024xf32, #tpu.memory_space<vmem>>
      %dma_start3A_274 = tpu.memref_squeeze %dma_start3A_273 : memref<1x16x1024xf32, #tpu.memory_space<vmem>> -> memref<16x1024xf32, #tpu.memory_space<vmem>>
      tpu.enqueue_dma source(%dma_start3A_274 : memref<16x1024xf32, #tpu.memory_space<vmem>>) target(%dma_start3A_270 : memref<16x1024xf32, #tpu.memory_space<hbm>>) target_semaphore(%arg11 : memref<!tpu.dma_semaphore, #tpu.memory_space<semaphore_mem>>)
    }
    %scan3A_6 = arith.constant 2 : i32
    %dma_wait3A = arith.constant 0 : i32
    %dma_wait3A_7 = arith.constant 0 : i32
    %dma_wait3A_8 = arith.constant 0 : i32
    %dma_wait3A_9 = tpu.memref_slice %arg6[%dma_wait3A, %dma_wait3A_7, %dma_wait3A_8] : memref<4x16x1024xf32, #tpu.memory_space<vmem>> -> memref<1x16x1024xf32, #tpu.memory_space<vmem>>
    %dma_wait3A_10 = tpu.memref_squeeze %dma_wait3A_9 : memref<1x16x1024xf32, #tpu.memory_space<vmem>> -> memref<16x1024xf32, #tpu.memory_space<vmem>>
    %dma_wait3A_11 = arith.constant 0 : i32
    %dma_wait3A_12 = arith.constant 0 : i32
    %dma_wait3A_13 = tpu.memref_slice %arg2[%dma_wait3A_11, %dma_wait3A_12] : memref<32768x1024xf32, #tpu.memory_space<hbm>> -> memref<16x1024xf32, #tpu.memory_space<hbm>>
    %dma_wait3A_14 = arith.constant 0 : i32
    %dma_wait3A_15 = arith.constant 0 : i32
    %dma_wait3A_16 = tpu.memref_slice %arg6[%dma_wait3A, %dma_wait3A_14, %dma_wait3A_15] : memref<4x16x1024xf32, #tpu.memory_space<vmem>> -> memref<1x16x1024xf32, #tpu.memory_space<vmem>>
    %dma_wait3A_17 = tpu.memref_squeeze %dma_wait3A_16 : memref<1x16x1024xf32, #tpu.memory_space<vmem>> -> memref<16x1024xf32, #tpu.memory_space<vmem>>
    %dma_wait3A_18 = arith.constant 0 : i32
    %dma_wait3A_19 = arith.constant 0 : i32
    %dma_wait3A_20 = tpu.memref_slice %arg2[%dma_wait3A_18, %dma_wait3A_19] : memref<32768x1024xf32, #tpu.memory_space<hbm>> -> memref<16x1024xf32, #tpu.memory_space<hbm>>
    tpu.wait_dma2 semaphore(%arg8 : memref<!tpu.dma_semaphore, #tpu.memory_space<semaphore_mem>>) src(%dma_wait3A_20 : memref<16x1024xf32, #tpu.memory_space<hbm>>) dst(%dma_wait3A_17 : memref<16x1024xf32, #tpu.memory_space<vmem>>)
    %dma_wait3A_21 = arith.constant 1 : i32
    %dma_wait3A_22 = arith.constant 0 : i32
    %dma_wait3A_23 = arith.constant 0 : i32
    %dma_wait3A_24 = tpu.memref_slice %arg6[%dma_wait3A_21, %dma_wait3A_22, %dma_wait3A_23] : memref<4x16x1024xf32, #tpu.memory_space<vmem>> -> memref<1x16x1024xf32, #tpu.memory_space<vmem>>
    %dma_wait3A_25 = tpu.memref_squeeze %dma_wait3A_24 : memref<1x16x1024xf32, #tpu.memory_space<vmem>> -> memref<16x1024xf32, #tpu.memory_space<vmem>>
    %dma_wait3A_26 = arith.constant 0 : i32
    %dma_wait3A_27 = arith.constant 0 : i32
    %dma_wait3A_28 = tpu.memref_slice %arg2[%dma_wait3A_26, %dma_wait3A_27] : memref<32768x1024xf32, #tpu.memory_space<hbm>> -> memref<16x1024xf32, #tpu.memory_space<hbm>>
    %dma_wait3A_29 = arith.constant 0 : i32
    %dma_wait3A_30 = arith.constant 0 : i32
    %dma_wait3A_31 = tpu.memref_slice %arg6[%dma_wait3A_21, %dma_wait3A_29, %dma_wait3A_30] : memref<4x16x1024xf32, #tpu.memory_space<vmem>> -> memref<1x16x1024xf32, #tpu.memory_space<vmem>>
    %dma_wait3A_32 = tpu.memref_squeeze %dma_wait3A_31 : memref<1x16x1024xf32, #tpu.memory_space<vmem>> -> memref<16x1024xf32, #tpu.memory_space<vmem>>
    %dma_wait3A_33 = arith.constant 0 : i32
    %dma_wait3A_34 = arith.constant 0 : i32
    %dma_wait3A_35 = tpu.memref_slice %arg2[%dma_wait3A_33, %dma_wait3A_34] : memref<32768x1024xf32, #tpu.memory_space<hbm>> -> memref<16x1024xf32, #tpu.memory_space<hbm>>
    tpu.wait_dma2 semaphore(%arg9 : memref<!tpu.dma_semaphore, #tpu.memory_space<semaphore_mem>>) src(%dma_wait3A_35 : memref<16x1024xf32, #tpu.memory_space<hbm>>) dst(%dma_wait3A_32 : memref<16x1024xf32, #tpu.memory_space<vmem>>)
    %dma_wait3A_36 = arith.constant 2 : i32
    %dma_wait3A_37 = arith.constant 0 : i32
    %dma_wait3A_38 = arith.constant 0 : i32
    %dma_wait3A_39 = tpu.memref_slice %arg6[%dma_wait3A_36, %dma_wait3A_37, %dma_wait3A_38] : memref<4x16x1024xf32, #tpu.memory_space<vmem>> -> memref<1x16x1024xf32, #tpu.memory_space<vmem>>
    %dma_wait3A_40 = tpu.memref_squeeze %dma_wait3A_39 : memref<1x16x1024xf32, #tpu.memory_space<vmem>> -> memref<16x1024xf32, #tpu.memory_space<vmem>>
    %dma_wait3A_41 = arith.constant 0 : i32
    %dma_wait3A_42 = arith.constant 0 : i32
    %dma_wait3A_43 = tpu.memref_slice %arg2[%dma_wait3A_41, %dma_wait3A_42] : memref<32768x1024xf32, #tpu.memory_space<hbm>> -> memref<16x1024xf32, #tpu.memory_space<hbm>>
    %dma_wait3A_44 = arith.constant 0 : i32
    %dma_wait3A_45 = arith.constant 0 : i32
    %dma_wait3A_46 = tpu.memref_slice %arg6[%dma_wait3A_36, %dma_wait3A_44, %dma_wait3A_45] : memref<4x16x1024xf32, #tpu.memory_space<vmem>> -> memref<1x16x1024xf32, #tpu.memory_space<vmem>>
    %dma_wait3A_47 = tpu.memref_squeeze %dma_wait3A_46 : memref<1x16x1024xf32, #tpu.memory_space<vmem>> -> memref<16x1024xf32, #tpu.memory_space<vmem>>
    %dma_wait3A_48 = arith.constant 0 : i32
    %dma_wait3A_49 = arith.constant 0 : i32
    %dma_wait3A_50 = tpu.memref_slice %arg2[%dma_wait3A_48, %dma_wait3A_49] : memref<32768x1024xf32, #tpu.memory_space<hbm>> -> memref<16x1024xf32, #tpu.memory_space<hbm>>
    tpu.wait_dma2 semaphore(%arg10 : memref<!tpu.dma_semaphore, #tpu.memory_space<semaphore_mem>>) src(%dma_wait3A_50 : memref<16x1024xf32, #tpu.memory_space<hbm>>) dst(%dma_wait3A_47 : memref<16x1024xf32, #tpu.memory_space<vmem>>)
    %dma_wait3A_51 = arith.constant 3 : i32
    %dma_wait3A_52 = arith.constant 0 : i32
    %dma_wait3A_53 = arith.constant 0 : i32
    %dma_wait3A_54 = tpu.memref_slice %arg6[%dma_wait3A_51, %dma_wait3A_52, %dma_wait3A_53] : memref<4x16x1024xf32, #tpu.memory_space<vmem>> -> memref<1x16x1024xf32, #tpu.memory_space<vmem>>
    %dma_wait3A_55 = tpu.memref_squeeze %dma_wait3A_54 : memref<1x16x1024xf32, #tpu.memory_space<vmem>> -> memref<16x1024xf32, #tpu.memory_space<vmem>>
    %dma_wait3A_56 = arith.constant 0 : i32
    %dma_wait3A_57 = arith.constant 0 : i32
    %dma_wait3A_58 = tpu.memref_slice %arg2[%dma_wait3A_56, %dma_wait3A_57] : memref<32768x1024xf32, #tpu.memory_space<hbm>> -> memref<16x1024xf32, #tpu.memory_space<hbm>>
    %dma_wait3A_59 = arith.constant 0 : i32
    %dma_wait3A_60 = arith.constant 0 : i32
    %dma_wait3A_61 = tpu.memref_slice %arg6[%dma_wait3A_51, %dma_wait3A_59, %dma_wait3A_60] : memref<4x16x1024xf32, #tpu.memory_space<vmem>> -> memref<1x16x1024xf32, #tpu.memory_space<vmem>>
    %dma_wait3A_62 = tpu.memref_squeeze %dma_wait3A_61 : memref<1x16x1024xf32, #tpu.memory_space<vmem>> -> memref<16x1024xf32, #tpu.memory_space<vmem>>
    %dma_wait3A_63 = arith.constant 0 : i32
    %dma_wait3A_64 = arith.constant 0 : i32
    %dma_wait3A_65 = tpu.memref_slice %arg2[%dma_wait3A_63, %dma_wait3A_64] : memref<32768x1024xf32, #tpu.memory_space<hbm>> -> memref<16x1024xf32, #tpu.memory_space<hbm>>
    tpu.wait_dma2 semaphore(%arg11 : memref<!tpu.dma_semaphore, #tpu.memory_space<semaphore_mem>>) src(%dma_wait3A_65 : memref<16x1024xf32, #tpu.memory_space<hbm>>) dst(%dma_wait3A_62 : memref<16x1024xf32, #tpu.memory_space<vmem>>)
    return
  }
}

module attributes {stable_mosaic.version = 14 : i64} {
  func.func @_tc_add_kernel(%arg0: i32, %arg1: i32, %arg2: memref<1x1024x1024xf32, #tpu.memory_space<vmem>>, %arg3: memref<1024x1024xf32, #tpu.memory_space<vmem>>, %arg4: memref<1x1024x1024xf32, #tpu.memory_space<vmem>>) attributes {dimension_semantics = [#tpu.dimension_semantics<arbitrary>, #tpu.dimension_semantics<arbitrary>], iteration_bounds = array<i64: 7, 4>, scalar_prefetch = 0 : i64, scratch_operands = 0 : i64, tpu.core_type = #tpu.core_type<tc>, window_params = [{transform_indices = @transform_0, window_bounds = array<i64: 1, 1024, 1024>}, {transform_indices = @transform_1, window_bounds = array<i64: 1024, 1024>}, {transform_indices = @transform_2, window_bounds = array<i64: 1, 1024, 1024>}]} {
    %get3A = arith.constant 0 : index
    %get3A_0 = arith.constant 0 : index
    %get3A_1 = arith.constant 0 : index
    %get3A_2 = vector.load %arg2[%get3A, %get3A_0, %get3A_1] : memref<1x1024x1024xf32, #tpu.memory_space<vmem>>, vector<1x1024x1024xf32>
    %get3A_3 = vector.shape_cast %get3A_2 : vector<1x1024x1024xf32> to vector<1024x1024xf32>
    %get3A_4 = arith.constant 0 : index
    %get3A_5 = arith.constant 0 : index
    %get3A_6 = vector.load %arg3[%get3A_4, %get3A_5] : memref<1024x1024xf32, #tpu.memory_space<vmem>>, vector<1024x1024xf32>
    %add3A = arith.addf %get3A_3, %get3A_6 : vector<1024x1024xf32>
    %swap3A = arith.constant 0 : index
    %swap3A_7 = arith.constant 0 : index
    %swap3A_8 = arith.constant 0 : index
    %swap3A_9 = vector.load %arg4[%swap3A, %swap3A_7, %swap3A_8] : memref<1x1024x1024xf32, #tpu.memory_space<vmem>>, vector<1x1024x1024xf32>
    %swap3A_10 = vector.shape_cast %swap3A_9 : vector<1x1024x1024xf32> to vector<1024x1024xf32>
    %swap3A_11 = vector.shape_cast %add3A : vector<1024x1024xf32> to vector<1x1024x1024xf32>
    tpu.vector_store %arg4[%swap3A, %swap3A_7, %swap3A_8], %swap3A_11 {strides = array<i32>} : memref<1x1024x1024xf32, #tpu.memory_space<vmem>>, vector<1x1024x1024xf32>,
    return
  }
  func.func @transform_0(%arg0: i32, %arg1: i32) -> (i32, i32, i32) {
    %add3A = arith.constant 1 : i32
    %add3A_0 = arith.addi %arg0, %add3A : i32
    %c0_i32 = arith.constant 0 : i32
    %c0_i32_1 = arith.constant 0 : i32
    return %arg1, %add3A_0, %c0_i32 : i32, i32, i32
  }
  func.func @transform_1(%arg0: i32, %arg1: i32) -> (i32, i32) {
    %add3A = arith.constant 1 : i32
    %add3A_0 = arith.addi %arg0, %add3A : i32
    %c0_i32 = arith.constant 0 : i32
    %c0_i32_1 = arith.constant 0 : i32
    return %add3A_0, %c0_i32 : i32, i32
  }
  func.func @transform_2(%arg0: i32, %arg1: i32) -> (i32, i32, i32) {
    %add3A = arith.constant 1 : i32
    %add3A_0 = arith.addi %arg0, %add3A : i32
    %c0_i32 = arith.constant 0 : i32
    %c0_i32_1 = arith.constant 0 : i32
    return %arg1, %add3A_0, %c0_i32 : i32, i32, i32
  }
}

</mosaic_0001>

<sc_bundles>
// kernel: kernel.4.cloned.1.call-start
scs
__scs_entry_jumppad:
0x0: {  	(pc) =	sbr.rel $0x88, $3  }
0x1: {  	(tag) =	ssettag $0x0;
	lr =	simm.s32 $0x1  }
0x2: {  	[smem:$0x3F9F] =	sst lr;
	_ =	strace $0xD0000000  }
0x3: {  	_ = 	snop  }
0x4: {  	_ = 	snop  }
0x5: {  	_ = 	snop  }
0x6: {  	_ = 	snop  }
0x7: {  	_ = 	snop  }
__scs_overlays_trampoline_lowered:
0x8: {  	[smem:$0x3FAE] =	sst s0  }
0x9: {  	[smem:$0x3FAF] =	sst s1  }
0xa: {  	[smem:$0x3FB0] =	sst s2  }
0xb: {  	[smem:$0x3FB1] =	sst s3  }
0xc: {  	[smem:$0x3FB2] =	sst s4  }
0xd: {  	[smem:$0x3FB3] =	sst s5  }
0xe: {  	[smem:$0x3FB4] =	sst s6  }
0xf: {  	[smem:$0x3FB5] =	sst s7  }
0x10: {  	[smem:$0x3FB6] =	sst s8  }
0x11: {  	[smem:$0x3FB7] =	sst s9;
	s0 =	simm.s32 @!p0 $0x0  }
0x12: {  	s1 =	sld [smem:$0x3F9D];
	s0 =	simm.s32 @p0 $0x1  }
0x13: {  	[smem:$0x3FB8] =	sst s0;
	s0 =	simm.s32 @!p1 $0x0  }
0x14: {  	s2 =	sld [smem:$0x3F9C];
	s0 =	simm.s32 @p1 $0x1  }
0x15: {  	[smem:$0x3FB9] =	sst s0;
	s0 =	simm.s32 @!p2 $0x0  }
0x16: {  	s3 =	sld [smem:$0x3FDB];
	s0 =	simm.s32 @p2 $0x1  }
0x17: {  	s4 =	simm.s32 $0x1BF5;
	[smem:$0x3FBB] =	sst s0  }
0x18: {  	s0 =	sld [smem:$0x3F9E];
	_ =	swait.ge [sflag:s4], $0x0  }
0x19: {  	s7 =	sld [smem:$0x3F9F]  }
0x1a: {  	s8 =	sadd.s32 $0xFFFFE003, lr  }
0x1b: {  	s9 =	sadd.s32 $0xFFFFFEF7, lr;
	s5 =	simm.s32 $0xFFFFFFFF;
	p2 =	slt.u32 s8, $0xFFFFF086  }
0x1c: {  	p1 =	slt.u32 s9, $0xF7A;
	s5 =	simm.s32 @!p2 $0x0  }
0x1d: {  	s5 =	simm.s32 @p1 $0x1;
	p0 =	seq.s32 s7, s2  }
0x1e: {  	s7 =	smul.u32 @!p0 $0xF7A, s2;
	p2 =	seq.s32 @!p0 s5, $0x0  }
0x1f: {  	s9 =	smul.u32 $0xF7A, s1;
	s8 =	simm.s32 @!p0 $0x1BF5;
	p2 =	por !p2, p0  }
0x20: {  	[sflag:s8] =	ssyncset.s32 @!p0 $0xFFFFF086;
	s6 =	sadd.s32 @!p0 s3, s7;
	s7 =	simm.s32 @!p0 $0x108  }
0x21: {  	s3 =	sadd.s32 s3, s9;
	s6 =	sadd.s32 @!p0 $0x88, s6;
	s7 =	simm.s32 @p2 $0x1082  }
0x22: {  	[simem:s7], [sflag:s8] =	dma.local @!p0 [hbm:s6], $0xF7A  }
0x23: {  	s9 =	sor.u32 $0xD0000000, s2;
	s6 =	simm.s32 $0x108;
	_ =	swait.ge @!p0 [sflag:s8], $0x0  }
0x24: {  	s3 =	sadd.s32 $0x88, s3;
	s6 =	simm.s32 @!p1 $0x1082;
	[sflag:s4] =	ssyncset.s32 $0xFFFFF086  }
0x25: {  	[simem:s6], [sflag:s4] =	dma.local [hbm:s3], $0xF7A  }
0x26: {  	[smem:$0x3F9F] =	sst s1;
	(tag) =	ssettag s2;
	_ =	strace s9  }
0x27: {  	s1 =	sld [smem:$0x3FAF]  }
0x28: {  	s2 =	sld [smem:$0x3FB0]  }
0x29: {  	s4 =	sld [smem:$0x3FB2]  }
0x2a: {  	p0 =	seq.s32 s5, $0x0;
	s5 =	sld [smem:$0x3FB3]  }
0x2b: {  	s6 =	sld [smem:$0x3FB4]  }
0x2c: {  	s7 =	sld [smem:$0x3FB5]  }
0x2d: {  	s3 =	simm.s32 $0x108;
	s8 =	sld [smem:$0x3FB6]  }
0x2e: {  	s3 =	simm.s32 @!p0 $0x1082;
	s9 =	sld [smem:$0x3FB7]  }
0x2f: {  	lr =	sadd.s32 s0, s3;
	s0 =	sld [smem:$0x3FAE]  }
0x30: {  	s3 =	sld [smem:$0x3FB1]  }
0x31: {  	[smem:$0x3FBA] =	sst s10  }
0x32: {  	s10 =	sld [smem:$0x3FB8];
	_ =	sdelay $0x3  }
0x33: {  	p0 =	seq.s32 s10, $0x1;
	s10 =	sld [smem:$0x3FBA];
	_ =	sdelay $0x3  }
0x34: {  	[smem:$0x3FBA] =	sst s10  }
0x35: {  	s10 =	sld [smem:$0x3FB9];
	_ =	sdelay $0x3  }
0x36: {  	p1 =	seq.s32 s10, $0x1;
	s10 =	sld [smem:$0x3FBA];
	_ =	sdelay $0x3  }
0x37: {  	[smem:$0x3FBA] =	sst s10  }
0x38: {  	s10 =	sld [smem:$0x3FBB]  }
0x39: {  	_ = 	snop;
	(pc) =	sbr.ind lr, $3  }
0x3a: {  	_ = 	snop  }
0x3b: {  	_ = 	snop  }
0x3c: {  	p2 =	seq.s32 s10, $0x1;
	s10 =	sld [smem:$0x3FBA]  }
0x3d: {  	_ =	shalt  }
0x3e: {  	_ =	shalt  }
0x3f: {  	_ =	shalt  }
0x40: {  	_ =	shalt  }
0x41: {  	_ =	shalt  }
0x42: {  	_ =	shalt  }
0x43: {  	_ =	shalt  }
0x44: {  	_ =	shalt  }
0x45: {  	_ =	shalt  }
0x46: {  	_ =	shalt  }
0x47: {  	_ =	shalt  }
0x48: {  	_ =	shalt  }
0x49: {  	_ =	shalt  }
0x4a: {  	_ =	shalt  }
0x4b: {  	_ =	shalt  }
0x4c: {  	_ =	shalt  }
0x4d: {  	_ =	shalt  }
0x4e: {  	_ =	shalt  }
0x4f: {  	_ =	shalt  }
0x50: {  	_ =	shalt  }
0x51: {  	_ =	shalt  }
0x52: {  	_ =	shalt  }
0x53: {  	_ =	shalt  }
0x54: {  	_ =	shalt  }
0x55: {  	_ =	shalt  }
0x56: {  	_ =	shalt  }
0x57: {  	_ =	shalt  }
0x58: {  	_ =	shalt  }
0x59: {  	_ =	shalt  }
0x5a: {  	_ =	shalt  }
0x5b: {  	_ =	shalt  }
0x5c: {  	_ =	shalt  }
0x5d: {  	_ =	shalt  }
0x5e: {  	_ =	shalt  }
0x5f: {  	_ =	shalt  }
0x60: {  	_ =	shalt  }
0x61: {  	_ =	shalt  }
0x62: {  	_ =	shalt  }
0x63: {  	_ =	shalt  }
0x64: {  	_ =	shalt  }
0x65: {  	_ =	shalt  }
0x66: {  	_ =	shalt  }
0x67: {  	_ =	shalt  }
0x68: {  	_ =	shalt  }
0x69: {  	_ =	shalt  }
0x6a: {  	_ =	shalt  }
0x6b: {  	_ =	shalt  }
0x6c: {  	_ =	shalt  }
0x6d: {  	_ =	shalt  }
0x6e: {  	_ =	shalt  }
0x6f: {  	_ =	shalt  }
0x70: {  	_ =	shalt  }
0x71: {  	_ =	shalt  }
0x72: {  	_ =	shalt  }
0x73: {  	_ =	shalt  }
0x74: {  	_ =	shalt  }
0x75: {  	_ =	shalt  }
0x76: {  	_ =	shalt  }
0x77: {  	_ =	shalt  }
0x78: {  	_ =	shalt  }
0x79: {  	_ =	shalt  }
0x7a: {  	_ =	shalt  }
0x7b: {  	_ =	shalt  }
0x7c: {  	_ =	shalt  }
0x7d: {  	_ =	shalt  }
0x7e: {  	_ =	shalt  }
0x7f: {  	_ =	shalt  }
0x80: {  	_ =	shalt  }
0x81: {  	_ =	shalt  }
0x82: {  	_ =	shalt  }
0x83: {  	_ =	shalt  }
0x84: {  	_ =	shalt  }
0x85: {  	_ =	shalt  }
0x86: {  	_ =	shalt  }
0x87: {  	_ =	shalt  }
.Lfunc_end0:
.L_simem_size_0:
called_computation_lowered:
.L_overlay_start_0:
0x88: {  	s2 =	sld [smem:$0x3FD9]  }
0x89: {  	s3 =	sld [smem:$0x3FFE];
	_ =	sdelay $0x1  }
0x8a: {  	s1 =	srdreg.scid  }
0x8b: {  	s0 =	sand.u32 $0x1, s1  }
0x8c: {  	s15 =	sshll.u32 s0, $0xA;
	s2 =	sadd.s32 s3, s2  }
0x8d: {  	s2 =	sadd.s32 s2, s15  }
0x8e: {  	[smem:$0x3FC6] =	sst s2  }
0x8f: {  	_ = 	snop  }
0x90: {  	s2 =	sld [smem:$0x3FD0];
	_ =	sdelay $0x1  }
0x91: {  	s16 =	sld [smem:$0x3FC9]  }
0x92: {  	s5 =	simm.s32 $0xA;
	s6 =	simm.s32 $0x10;
	s4 =	sld [smem:$0x3FC8]  }
0x93: {  	[smem:s6], [sflag:s5] =	dma.local [hbm:s2], $0x1  }
0x94: {  	_ =	swait.eq [sflag:s5], $0x1  }
0x95: {  	[sflag:s5] =	ssyncset.done $0x0  }
0x96: {  	[sflag:s5] =	ssyncadd.s32 $0xFFFFFFFF  }
0x97: {  	s17 =	sld [smem:$0x11];
	(tm) =	ssettm $0x1  }
0x98: {  	s18 =	sld [smem:$0x3FFB];
	_ =	sdelay $0x3  }
0x99: {  	_ =	strace s18  }
0x9a: {  	s5 =	sld [smem:$0x3FFC];
	_ =	sdelay $0x3  }
0x9b: {  	_ =	strace s5  }
0x9c: {  	s5 =	sld [smem:$0x3FFD];
	_ =	sdelay $0x3  }
0x9d: {  	_ =	strace s5  }
0x9e: {  	_ =	strace $0x8FFFFFFF  }
0x9f: {  	s19 =	sld [smem:$0x3FDB];
	_ =	sdelay $0x1  }
0xa0: {  	s20 =	simm.s32 $_scs_section_size  }
0xa1: {  	s7 =	simm.s32 $_size__tile_overlayer_lowered;
	s8 =	simm.s32 $_tile_overlayer_lowered  }
0xa2: {  	s23 =	simm.s32 $0x1BFF;
	s22 =	sshll.u32 s8, $0x1;
	s5 =	sadd.s32 s20, s19  }
0xa3: {  	s9 =	simm.s32 $0x0;
	s21 =	sshll.u32 s7, $0x1;
	s7 =	sadd.s32 s22, s5  }
0xa4: {  	[timem:s9], [sflag:s23] =	dma.local [hbm:s7], s21  }
0xa5: {  	_ =	swait.ge [sflag:s23], s21  }
0xa6: {  	s6 =	ssub.s32 $0x0, s21;
	[sflag:s23] =	ssyncset.done $0x0  }
0xa7: {  	[sflag:s23] =	ssyncadd.s32 s6;
	_ =	sdelay $0x1  }
0xa8: {  	s24 =	simm.s32 $0x1B8B  }
0xa9: {  	_ =	swait.ge [sflag:s24], $0x1  }
0xaa: {  	[sflag:s24] =	ssyncset.done $0x0  }
0xab: {  	s25 =	simm.s32 $0x1B8E;
	[sflag:s24] =	ssyncadd.s32 $0xFFFFFFFF  }
0xac: {  	s26 =	simm.s32 $execute0_lowered;
	[smem:$0x3FD2] =	sst s25  }
0xad: {  	s6 =	sshll.u32 s26, $0x1;
	_ =	strace $0x80000046;
	[dreg:$0x1] =	wrdreg $0xFFFFFFFF  }
0xae: {  	s28 =	simm.s32 $_size_execute0_lowered;
	s5 =	sadd.s32 s5, s6;
	[dreg:$0x0] =	wrdreg $0x0  }
0xaf: {  	s6 =	sshll.u32 s28, $0x1;
	[dreg:$0x2] =	wrdreg s5  }
0xb0: {  	[dreg:$0x3] =	wrdreg s6  }
0xb1: {  	[dreg:$0x4] =	wrdreg $0xC0  }
0xb2: {  	_ =	task [dreg:s9], $0x5FFFF  }
0xb3: {  	[dreg:$0x1] =	wrdreg $0xFFFFFFFF  }
0xb4: {  	[dreg:$0x0] =	wrdreg $0x60  }
0xb5: {  	[dreg:$0x2] =	wrdreg s16  }
0xb6: {  	[dreg:$0x3] =	wrdreg s4  }
0xb7: {  	[dreg:$0x4] =	wrdreg s17  }
0xb8: {  	[dreg:$0x5] =	wrdreg $0x9  }
0xb9: {  	_ =	task.clear_ibuf [dreg:s9], $0x6FFFF;
	_ =	strace $0x90000046  }
0xba: {  	s29 =	simm.s32 $0x9;
	_ =	strace $0x80000048  }
0xbb: {  	_ =	swait.ge [sflag:s29], $0x1  }
0xbc: {  	[sflag:s29] =	ssyncadd.s32 $0xFFFFFFFF  }
0xbd: {  	_ =	strace $0x90000048  }
0xbe: {  	_ =	sfence  }
0xbf: {  	s30 =	sld [smem:$0x0];
	_ =	sdelay $0x2  }
0xc0: {  	s31 =	sshll.u32 s1, $0xD;
	s1 =	sshrl.u32 s1, $0x2  }
0xc1: {  	s3 =	sand.u32 $0x4000, s31;
	s1 =	sadd.s32 s1, s30  }
0xc2: {  	s0 =	sor.u32 s3, s0;
	s1 =	sshll.u32 s1, $0x11  }
0xc3: {  	s0 =	sor.u32 s1, s0  }
0xc4: {  	s0 =	sadd.s32 $0x8F2B, s0  }
0xc5: {  	[sflag:s0] =	ssyncadd.remote.s32 $0x1  }
0xc6: {  	_ =	sfence.sel $0xFFFF  }
0xc7: {  	[dreg:$0x0] =	wrdreg $0xFFFFFFFF;
	(pc) =	sbr.abs _section_cstart, $3  }
0xc8: {  	[dreg:$0x1] =	wrdreg $0xFFFFFFFF  }
0xc9: {  	_ =	task.clear_ibuf [dreg:s9], $0x2FFFF;
	_ =	strace $0x9FFFFFFF  }
0xca: {  	(tm) =	ssettm $0x7FFFFFFF  }
0xcb: {  	_ =	shalt  }
tec
execute0_lowered:
.L_overlay_start_1:
0x0: {  	(tag) =	ssettag $0x1  }
0x1: {  	s1 =	rddreg [dreg:$0x0]  }
0x2: {  	s2 =	rddreg [dreg:$0x1]  }
0x3: {  	s3 =	rddreg [dreg:$0x2];
	s0 =	srdreg.scid;
	s4 =	simm.s32 $0x0  }
0x4: {  	s5 =	stileid.u32;
	s14 =	simm.s32 $0x4000;
	s15 =	simm.s32 $0x8000  }
0x5: {  	s16 =	simm.s32 $0xC000;
	s17 =	simm.s32 $0x10000;
	s18 =	simm.s32 $0x1  }
0x6: {  	s19 =	simm.s32 $0x2;
	s20 =	simm.s32 $0x3;
	s21 =	simm.s32 $0x4  }
0x7: {  	s22 =	simm.s32 $0x5;
	s23 =	simm.s32 $0x0;
	s0 =	sand.u32 $0x1, s0  }
0x8: {  	[smem:$0x7FF] =	sst s4;
	s31 =	sshll.u32 s5, $0xC;
	s8 =	sadd.s32 $0x200000, s1  }
0x9: {  	s9 =	sadd.s32 $0x300000, s1;
	s10 =	sadd.s32 $0x20000, s3;
	s6 =	ssub.s32 $0x2, s0  }
0xa: {  	s11 =	sadd.s32 $0x40000, s3;
	s12 =	sadd.s32 $0x60000, s3;
	s7 =	sshrl.u32 s6, $0x1  }
0xb: {  	_ =	strace $0x80000047;
	s0 =	sshll.u32 s0, $0x10;
	s13 =	ssub.s32 s6, s7  }
0xc: {  	s6 =	sor.u32 s31, s0;
	s7 =	sadd.s32 $0x100000, s1;
	s13 =	smax.u32 s13, $0x1  }
.LBB2_1:
0xd: {  	p1 =	por $0x1, $0x1;
	p2 =	por $0x0, $0x0;
	s0 =	simm.s32 $0x0  }
.LBB2_2:
0xe: {  	s24 =	sor.u32 s6, s0  }
0xf: {  	s0 =	sadd.s32 s2, s24  }
0x10: {  	[tilespmem:s4], [sflag:$0x1] =	stream.linear.gather [hbm4b:s0+s4], $0x4000, $0x38;
	[tilespmem:$0x14000] =	vst v63  }
0x11: {  	s0 =	simm.s32 @p2 $0x2  }
0x12: {  	_ =	swait.ge @p2 [sflag:s0], $0x4000  }
0x13: {  	[sflag:s0] =	ssyncset.done @p2 $0x0  }
0x14: {  	[sflag:s0] =	ssyncadd.s32 @p2 $0xFFFFC000;
	s0 =	simm.s32 @p2 $0x3  }
0x15: {  	_ =	swait.ge @p2 [sflag:s0], $0x4000  }
0x16: {  	[sflag:s0] =	ssyncset.done @p2 $0x0  }
0x17: {  	[sflag:s0] =	ssyncadd.s32 @p2 $0xFFFFC000;
	s0 =	simm.s32 @p2 $0x4  }
0x18: {  	_ =	swait.ge @p2 [sflag:s0], $0x4000  }
0x19: {  	[sflag:s0] =	ssyncset.done @p2 $0x0  }
0x1a: {  	[sflag:s0] =	ssyncadd.s32 @p2 $0xFFFFC000;
	s0 =	simm.s32 @p2 $0x5  }
0x1b: {  	_ =	swait.ge @p2 [sflag:s0], $0x4000  }
0x1c: {  	[sflag:s0] =	ssyncset.done @p2 $0x0  }
0x1d: {  	s25 =	simm.s32 $0x0;
	s26 =	sadd.s32 s1, s24;
	[sflag:s0] =	ssyncadd.s32 @p2 $0xFFFFC000  }
0x1e: {  	[tilespmem:s14], [sflag:$0x2] =	stream.linear.gather [hbm4b:s26+s25], $0x4000, $0x38;
	[tilespmem:$0x14000] =	vst v63  }
0x1f: {  	s29 =	sadd.s32 s24, s7  }
0x20: {  	[tilespmem:s15], [sflag:$0x3] =	stream.linear.gather [hbm4b:s29+s25], $0x4000, $0x38;
	[tilespmem:$0x14000] =	vst v63  }
0x21: {  	s30 =	sadd.s32 s24, s8  }
0x22: {  	[tilespmem:s16], [sflag:$0x4] =	stream.linear.gather [hbm4b:s30+s25], $0x4000, $0x38;
	[tilespmem:$0x14000] =	vst v63  }
0x23: {  	s31 =	sadd.s32 s24, s9  }
0x24: {  	[tilespmem:s17], [sflag:$0x5] =	stream.linear.gather [hbm4b:s31+s25], $0x4000, $0x38;
	[tilespmem:$0x14000] =	vst v63  }
0x25: {  	_ =	swait.ge [sflag:s18], $0x4000  }
0x26: {  	[sflag:s18] =	ssyncset.done $0x0  }
0x27: {  	[sflag:s18] =	ssyncadd.s32 $0xFFFFC000  }
0x28: {  	_ =	swait.ge [sflag:s19], $0x4000  }
0x29: {  	p0 =	por p1, p1;
	[sflag:s19] =	ssyncset.done $0x0  }
0x2a: {  	s28 =	simm.s32 $0x0;
	s26 =	simm.s32 $0x0;
	[sflag:s19] =	ssyncadd.s32 $0xFFFFC000  }
.LBB2_3:
0x2b: {  	s0 =	sand.u32 $0x7, s26  }
0x2c: {  	s0 =	sshll.u32 s0, $0x9  }
0x2d: {  	s29 =	sshrl.u32 s0, $0x2  }
0x2e: {  	v0 =	vmov s29;
	_ =	sdelay $0x2  }
0x2f: {  	s0 =	sand.u32 $0x3FFFE000, s25  }
0x30: {  	s5 =	sor.u32 $0x40, s0  }
0x31: {  	v1 =	vld.idx.msk [tilespmem:v0+s5+$0x30 ss:$0x1], $0xffff  }
0x32: {  	v2 =	vld.idx.msk [tilespmem:v0+s5+$0xFFFFFFD0 ss:$0x1], $0xffff  }
0x33: {  	v3 =	vld.idx.msk [tilespmem:v0+s5+$0xFFFFFFE0 ss:$0x1], $0xffff  }
0x34: {  	v4 =	vld.idx.msk [tilespmem:v0+s5+$0xFFFFFFF0 ss:$0x1], $0xffff  }
0x35: {  	v5 =	vld.idx.msk [tilespmem:v0+s5+$0x0 ss:$0x1], $0xffff  }
0x36: {  	s30 =	sadd.s32 $0x4000, s0;
	v6 =	vld.idx.msk [tilespmem:v0+s5+$0x10 ss:$0x1], $0xffff  }
0x37: {  	s0 =	sadd.s32 s29, s30;
	v7 =	vld.idx.msk [tilespmem:v0+s5+$0xFFFFFFC0 ss:$0x1], $0xffff  }
0x38: {  	[tilespmem:s0+$0x70] =	vst.add.f32.msk $0xffff, v1  }
0x39: {  	v1 =	vld.idx.msk [tilespmem:v0+s5+$0x20 ss:$0x1], $0xffff  }
0x3a: {  	[tilespmem:s0+$0x10] =	vst.add.f32.msk $0xffff, v2  }
0x3b: {  	[tilespmem:s0+$0x20] =	vst.add.f32.msk $0xffff, v3  }
0x3c: {  	[tilespmem:s0+$0x30] =	vst.add.f32.msk $0xffff, v4  }
0x3d: {  	[tilespmem:s0+$0x40] =	vst.add.f32.msk $0xffff, v5  }
0x3e: {  	[tilespmem:s0+$0x50] =	vst.add.f32.msk $0xffff, v6  }
0x3f: {  	[tilespmem:s0+$0x0] =	vst.add.f32.msk $0xffff, v7  }
0x40: {  	s31 =	simm.s32 $0x0;
	[tilespmem:s0+$0x60] =	vst.add.f32.msk $0xffff, v1;
	s0 =	sadd.s32 $0x400, s5  }
.LBB2_4:
0x41: {  	v1 =	vld.idx.msk [tilespmem:v0+s0+$0x30 ss:$0x1], $0xffff;
	s31 =	sadd.s32 $0x80, s31  }
0x42: {  	v2 =	vld.idx.msk [tilespmem:v0+s0+$0xFFFFFFD0 ss:$0x1], $0xffff;
	p1 =	slt.u32 s31, $0x380  }
0x43: {  	v3 =	vld.idx.msk [tilespmem:v0+s0+$0xFFFFFFE0 ss:$0x1], $0xffff  }
0x44: {  	v4 =	vld.idx.msk [tilespmem:v0+s0+$0xFFFFFFF0 ss:$0x1], $0xffff  }
0x45: {  	s30 =	sadd.s32 $0x400, s30;
	v5 =	vld.idx.msk [tilespmem:v0+s0+$0x0 ss:$0x1], $0xffff  }
0x46: {  	s5 =	sadd.s32 s29, s30;
	v6 =	vld.idx.msk [tilespmem:v0+s0+$0x10 ss:$0x1], $0xffff  }
0x47: {  	[tilespmem:s5+$0x70] =	vst.add.f32.msk $0xffff, v1  }
0x48: {  	v1 =	vld.idx.msk [tilespmem:v0+s0+$0x20 ss:$0x1], $0xffff  }
0x49: {  	v7 =	vld.idx.msk [tilespmem:v0+s0+$0xFFFFFFC0 ss:$0x1], $0xffff  }
0x4a: {  	[tilespmem:s5+$0x10] =	vst.add.f32.msk $0xffff, v2  }
0x4b: {  	[tilespmem:s5+$0x20] =	vst.add.f32.msk $0xffff, v3  }
.Ltmp0:
0x4c: {  	[tilespmem:s5+$0x30] =	vst.add.f32.msk $0xffff, v4;
	(pc) =	sbr.rel @p1 .LBB2_4-.Ltmp0, $4  }
0x4d: {  	[tilespmem:s5+$0x40] =	vst.add.f32.msk $0xffff, v5  }
0x4e: {  	[tilespmem:s5+$0x50] =	vst.add.f32.msk $0xffff, v6  }
0x4f: {  	[tilespmem:s5+$0x0] =	vst.add.f32.msk $0xffff, v7  }
0x50: {  	s0 =	sadd.s32 $0x400, s0;
	[tilespmem:s5+$0x60] =	vst.add.f32.msk $0xffff, v1  }
0x51: {  	s28 =	sadd.s32 $0x1, s28  }
0x52: {  	p1 =	sne.s32 s28, $0x10  }
.Ltmp1:
0x53: {  	_ = 	snop;
	(pc) =	sbr.rel @p1 .LBB2_3-.Ltmp1, $2  }
0x54: {  	_ =	sdelay $0x2  }
0x55: {  	s26 =	sadd.s32 $0x1, s26;
	s25 =	sadd.s32 $0x400, s25  }
0x56: {  	s0 =	sadd.s32 s3, s24;
	s25 =	simm.s32 $0x0  }
0x57: {  	[hbm4b:s0+s25] =	stream.linear.scatter [tilespmem:s14], [sflag:$0x2], $0x4000, $0x38;
	[tilespmem:$0x14000] =	vst v63  }
0x58: {  	_ =	swait.ge [sflag:s20], $0x4000  }
0x59: {  	[sflag:s20] =	ssyncset.done $0x0  }
0x5a: {  	s26 =	simm.s32 $0x0;
	s28 =	simm.s32 $0x0;
	[sflag:s20] =	ssyncadd.s32 $0xFFFFC000  }
.LBB2_7:
0x5b: {  	s0 =	sand.u32 $0x7, s26  }
0x5c: {  	s0 =	sshll.u32 s0, $0x9  }
0x5d: {  	s29 =	sshrl.u32 s0, $0x2  }
0x5e: {  	v0 =	vmov s29;
	_ =	sdelay $0x2  }
0x5f: {  	s0 =	sand.u32 $0x3FFFE000, s25  }
0x60: {  	s5 =	sor.u32 $0x40, s0  }
0x61: {  	v1 =	vld.idx.msk [tilespmem:v0+s5+$0x30 ss:$0x1], $0xffff  }
0x62: {  	v2 =	vld.idx.msk [tilespmem:v0+s5+$0xFFFFFFD0 ss:$0x1], $0xffff  }
0x63: {  	v3 =	vld.idx.msk [tilespmem:v0+s5+$0xFFFFFFE0 ss:$0x1], $0xffff  }
0x64: {  	v4 =	vld.idx.msk [tilespmem:v0+s5+$0xFFFFFFF0 ss:$0x1], $0xffff  }
0x65: {  	v5 =	vld.idx.msk [tilespmem:v0+s5+$0x0 ss:$0x1], $0xffff  }
0x66: {  	s30 =	sadd.s32 $0x4000, s0;
	v6 =	vld.idx.msk [tilespmem:v0+s5+$0x10 ss:$0x1], $0xffff  }
0x67: {  	s0 =	sadd.s32 s29, s30;
	v7 =	vld.idx.msk [tilespmem:v0+s5+$0xFFFFFFC0 ss:$0x1], $0xffff  }
0x68: {  	[tilespmem:s0+$0x4070] =	vst.add.f32.msk $0xffff, v1  }
0x69: {  	v1 =	vld.idx.msk [tilespmem:v0+s5+$0x20 ss:$0x1], $0xffff  }
0x6a: {  	[tilespmem:s0+$0x4010] =	vst.add.f32.msk $0xffff, v2  }
0x6b: {  	[tilespmem:s0+$0x4020] =	vst.add.f32.msk $0xffff, v3  }
0x6c: {  	[tilespmem:s0+$0x4030] =	vst.add.f32.msk $0xffff, v4  }
0x6d: {  	[tilespmem:s0+$0x4040] =	vst.add.f32.msk $0xffff, v5  }
0x6e: {  	[tilespmem:s0+$0x4050] =	vst.add.f32.msk $0xffff, v6  }
0x6f: {  	[tilespmem:s0+$0x4000] =	vst.add.f32.msk $0xffff, v7  }
0x70: {  	s31 =	simm.s32 $0x0;
	[tilespmem:s0+$0x4060] =	vst.add.f32.msk $0xffff, v1;
	s0 =	sadd.s32 $0x400, s5  }
.LBB2_8:
0x71: {  	v1 =	vld.idx.msk [tilespmem:v0+s0+$0x30 ss:$0x1], $0xffff;
	s31 =	sadd.s32 $0x80, s31  }
0x72: {  	v2 =	vld.idx.msk [tilespmem:v0+s0+$0xFFFFFFD0 ss:$0x1], $0xffff;
	p1 =	slt.u32 s31, $0x380  }
0x73: {  	v3 =	vld.idx.msk [tilespmem:v0+s0+$0xFFFFFFE0 ss:$0x1], $0xffff  }
0x74: {  	v4 =	vld.idx.msk [tilespmem:v0+s0+$0xFFFFFFF0 ss:$0x1], $0xffff  }
0x75: {  	s30 =	sadd.s32 $0x400, s30;
	v5 =	vld.idx.msk [tilespmem:v0+s0+$0x0 ss:$0x1], $0xffff  }
0x76: {  	s5 =	sadd.s32 s29, s30;
	v6 =	vld.idx.msk [tilespmem:v0+s0+$0x10 ss:$0x1], $0xffff  }
0x77: {  	[tilespmem:s5+$0x4070] =	vst.add.f32.msk $0xffff, v1  }
0x78: {  	v1 =	vld.idx.msk [tilespmem:v0+s0+$0x20 ss:$0x1], $0xffff  }
0x79: {  	v7 =	vld.idx.msk [tilespmem:v0+s0+$0xFFFFFFC0 ss:$0x1], $0xffff  }
0x7a: {  	[tilespmem:s5+$0x4010] =	vst.add.f32.msk $0xffff, v2  }
0x7b: {  	[tilespmem:s5+$0x4020] =	vst.add.f32.msk $0xffff, v3  }
.Ltmp2:
0x7c: {  	[tilespmem:s5+$0x4030] =	vst.add.f32.msk $0xffff, v4;
	(pc) =	sbr.rel @p1 .LBB2_8-.Ltmp2, $4  }
0x7d: {  	[tilespmem:s5+$0x4040] =	vst.add.f32.msk $0xffff, v5  }
0x7e: {  	[tilespmem:s5+$0x4050] =	vst.add.f32.msk $0xffff, v6  }
0x7f: {  	[tilespmem:s5+$0x4000] =	vst.add.f32.msk $0xffff, v7  }
0x80: {  	s0 =	sadd.s32 $0x400, s0;
	[tilespmem:s5+$0x4060] =	vst.add.f32.msk $0xffff, v1  }
0x81: {  	s28 =	sadd.s32 $0x1, s28  }
0x82: {  	p1 =	sne.s32 s28, $0x10  }
.Ltmp3:
0x83: {  	_ = 	snop;
	(pc) =	sbr.rel @p1 .LBB2_7-.Ltmp3, $2  }
0x84: {  	_ =	sdelay $0x2  }
0x85: {  	s26 =	sadd.s32 $0x1, s26;
	s25 =	sadd.s32 $0x400, s25  }
0x86: {  	s0 =	sadd.s32 s24, s10;
	s25 =	simm.s32 $0x0  }
0x87: {  	[hbm4b:s0+s25] =	stream.linear.scatter [tilespmem:s15], [sflag:$0x3], $0x4000, $0x38;
	[tilespmem:$0x14000] =	vst v63  }
0x88: {  	_ =	swait.ge [sflag:s21], $0x4000  }
0x89: {  	[sflag:s21] =	ssyncset.done $0x0  }
0x8a: {  	s26 =	simm.s32 $0x0;
	s28 =	simm.s32 $0x0;
	[sflag:s21] =	ssyncadd.s32 $0xFFFFC000  }
.LBB2_11:
0x8b: {  	s0 =	sand.u32 $0x7, s26  }
0x8c: {  	s0 =	sshll.u32 s0, $0x9  }
0x8d: {  	s29 =	sshrl.u32 s0, $0x2  }
0x8e: {  	v0 =	vmov s29;
	_ =	sdelay $0x2  }
0x8f: {  	s0 =	sand.u32 $0x3FFFE000, s25  }
0x90: {  	s5 =	sor.u32 $0x40, s0  }
0x91: {  	v1 =	vld.idx.msk [tilespmem:v0+s5+$0x30 ss:$0x1], $0xffff  }
0x92: {  	v2 =	vld.idx.msk [tilespmem:v0+s5+$0xFFFFFFD0 ss:$0x1], $0xffff  }
0x93: {  	v3 =	vld.idx.msk [tilespmem:v0+s5+$0xFFFFFFE0 ss:$0x1], $0xffff  }
0x94: {  	v4 =	vld.idx.msk [tilespmem:v0+s5+$0xFFFFFFF0 ss:$0x1], $0xffff  }
0x95: {  	v5 =	vld.idx.msk [tilespmem:v0+s5+$0x0 ss:$0x1], $0xffff  }
0x96: {  	s30 =	sadd.s32 $0x4000, s0;
	v6 =	vld.idx.msk [tilespmem:v0+s5+$0x10 ss:$0x1], $0xffff  }
0x97: {  	s0 =	sadd.s32 s29, s30;
	v7 =	vld.idx.msk [tilespmem:v0+s5+$0xFFFFFFC0 ss:$0x1], $0xffff  }
0x98: {  	[tilespmem:s0+$0x8070] =	vst.add.f32.msk $0xffff, v1  }
0x99: {  	v1 =	vld.idx.msk [tilespmem:v0+s5+$0x20 ss:$0x1], $0xffff  }
0x9a: {  	[tilespmem:s0+$0x8010] =	vst.add.f32.msk $0xffff, v2  }
0x9b: {  	[tilespmem:s0+$0x8020] =	vst.add.f32.msk $0xffff, v3  }
0x9c: {  	[tilespmem:s0+$0x8030] =	vst.add.f32.msk $0xffff, v4  }
0x9d: {  	[tilespmem:s0+$0x8040] =	vst.add.f32.msk $0xffff, v5  }
0x9e: {  	[tilespmem:s0+$0x8050] =	vst.add.f32.msk $0xffff, v6  }
0x9f: {  	[tilespmem:s0+$0x8000] =	vst.add.f32.msk $0xffff, v7  }
0xa0: {  	s31 =	simm.s32 $0x0;
	[tilespmem:s0+$0x8060] =	vst.add.f32.msk $0xffff, v1;
	s0 =	sadd.s32 $0x400, s5  }
.LBB2_12:
0xa1: {  	v1 =	vld.idx.msk [tilespmem:v0+s0+$0x30 ss:$0x1], $0xffff;
	s31 =	sadd.s32 $0x80, s31  }
0xa2: {  	v2 =	vld.idx.msk [tilespmem:v0+s0+$0xFFFFFFD0 ss:$0x1], $0xffff;
	p1 =	slt.u32 s31, $0x380  }
0xa3: {  	v3 =	vld.idx.msk [tilespmem:v0+s0+$0xFFFFFFE0 ss:$0x1], $0xffff  }
0xa4: {  	v4 =	vld.idx.msk [tilespmem:v0+s0+$0xFFFFFFF0 ss:$0x1], $0xffff  }
0xa5: {  	s30 =	sadd.s32 $0x400, s30;
	v5 =	vld.idx.msk [tilespmem:v0+s0+$0x0 ss:$0x1], $0xffff  }
0xa6: {  	s5 =	sadd.s32 s29, s30;
	v6 =	vld.idx.msk [tilespmem:v0+s0+$0x10 ss:$0x1], $0xffff  }
0xa7: {  	[tilespmem:s5+$0x8070] =	vst.add.f32.msk $0xffff, v1  }
0xa8: {  	v1 =	vld.idx.msk [tilespmem:v0+s0+$0x20 ss:$0x1], $0xffff  }
0xa9: {  	v7 =	vld.idx.msk [tilespmem:v0+s0+$0xFFFFFFC0 ss:$0x1], $0xffff  }
0xaa: {  	[tilespmem:s5+$0x8010] =	vst.add.f32.msk $0xffff, v2  }
0xab: {  	[tilespmem:s5+$0x8020] =	vst.add.f32.msk $0xffff, v3  }
.Ltmp4:
0xac: {  	[tilespmem:s5+$0x8030] =	vst.add.f32.msk $0xffff, v4;
	(pc) =	sbr.rel @p1 .LBB2_12-.Ltmp4, $4  }
0xad: {  	[tilespmem:s5+$0x8040] =	vst.add.f32.msk $0xffff, v5  }
0xae: {  	[tilespmem:s5+$0x8050] =	vst.add.f32.msk $0xffff, v6  }
0xaf: {  	[tilespmem:s5+$0x8000] =	vst.add.f32.msk $0xffff, v7  }
0xb0: {  	s0 =	sadd.s32 $0x400, s0;
	[tilespmem:s5+$0x8060] =	vst.add.f32.msk $0xffff, v1  }
0xb1: {  	s28 =	sadd.s32 $0x1, s28  }
0xb2: {  	p1 =	sne.s32 s28, $0x10  }
.Ltmp5:
0xb3: {  	_ = 	snop;
	(pc) =	sbr.rel @p1 .LBB2_11-.Ltmp5, $2  }
0xb4: {  	_ =	sdelay $0x2  }
0xb5: {  	s26 =	sadd.s32 $0x1, s26;
	s25 =	sadd.s32 $0x400, s25  }
0xb6: {  	s0 =	sadd.s32 s24, s11;
	s25 =	simm.s32 $0x0  }
0xb7: {  	[hbm4b:s0+s25] =	stream.linear.scatter [tilespmem:s16], [sflag:$0x4], $0x4000, $0x38;
	[tilespmem:$0x14000] =	vst v63  }
0xb8: {  	_ =	swait.ge [sflag:s22], $0x4000  }
0xb9: {  	[sflag:s22] =	ssyncset.done $0x0  }
0xba: {  	s26 =	simm.s32 $0x0;
	s28 =	simm.s32 $0x0;
	[sflag:s22] =	ssyncadd.s32 $0xFFFFC000  }
.LBB2_15:
0xbb: {  	s0 =	sand.u32 $0x7, s26  }
0xbc: {  	s0 =	sshll.u32 s0, $0x9  }
0xbd: {  	s29 =	sshrl.u32 s0, $0x2  }
0xbe: {  	v0 =	vmov s29;
	_ =	sdelay $0x2  }
0xbf: {  	s0 =	sand.u32 $0x3FFFE000, s25  }
0xc0: {  	s5 =	sor.u32 $0x40, s0  }
0xc1: {  	v1 =	vld.idx.msk [tilespmem:v0+s5+$0x30 ss:$0x1], $0xffff  }
0xc2: {  	v2 =	vld.idx.msk [tilespmem:v0+s5+$0xFFFFFFD0 ss:$0x1], $0xffff  }
0xc3: {  	v3 =	vld.idx.msk [tilespmem:v0+s5+$0xFFFFFFE0 ss:$0x1], $0xffff  }
0xc4: {  	v4 =	vld.idx.msk [tilespmem:v0+s5+$0xFFFFFFF0 ss:$0x1], $0xffff  }
0xc5: {  	v5 =	vld.idx.msk [tilespmem:v0+s5+$0x0 ss:$0x1], $0xffff  }
0xc6: {  	s30 =	sadd.s32 $0x4000, s0;
	v6 =	vld.idx.msk [tilespmem:v0+s5+$0x10 ss:$0x1], $0xffff  }
0xc7: {  	s0 =	sadd.s32 s29, s30;
	v7 =	vld.idx.msk [tilespmem:v0+s5+$0xFFFFFFC0 ss:$0x1], $0xffff  }
0xc8: {  	[tilespmem:s0+$0xC070] =	vst.add.f32.msk $0xffff, v1  }
0xc9: {  	v1 =	vld.idx.msk [tilespmem:v0+s5+$0x20 ss:$0x1], $0xffff  }
0xca: {  	[tilespmem:s0+$0xC010] =	vst.add.f32.msk $0xffff, v2  }
0xcb: {  	[tilespmem:s0+$0xC020] =	vst.add.f32.msk $0xffff, v3  }
0xcc: {  	[tilespmem:s0+$0xC030] =	vst.add.f32.msk $0xffff, v4  }
0xcd: {  	[tilespmem:s0+$0xC040] =	vst.add.f32.msk $0xffff, v5  }
0xce: {  	[tilespmem:s0+$0xC050] =	vst.add.f32.msk $0xffff, v6  }
0xcf: {  	[tilespmem:s0+$0xC000] =	vst.add.f32.msk $0xffff, v7  }
0xd0: {  	s31 =	simm.s32 $0x0;
	[tilespmem:s0+$0xC060] =	vst.add.f32.msk $0xffff, v1;
	s0 =	sadd.s32 $0x400, s5  }
.LBB2_16:
0xd1: {  	v1 =	vld.idx.msk [tilespmem:v0+s0+$0x30 ss:$0x1], $0xffff;
	s31 =	sadd.s32 $0x80, s31  }
0xd2: {  	v2 =	vld.idx.msk [tilespmem:v0+s0+$0xFFFFFFD0 ss:$0x1], $0xffff;
	p1 =	slt.u32 s31, $0x380  }
0xd3: {  	v3 =	vld.idx.msk [tilespmem:v0+s0+$0xFFFFFFE0 ss:$0x1], $0xffff  }
0xd4: {  	v4 =	vld.idx.msk [tilespmem:v0+s0+$0xFFFFFFF0 ss:$0x1], $0xffff  }
0xd5: {  	s30 =	sadd.s32 $0x400, s30;
	v5 =	vld.idx.msk [tilespmem:v0+s0+$0x0 ss:$0x1], $0xffff  }
0xd6: {  	s5 =	sadd.s32 s29, s30;
	v6 =	vld.idx.msk [tilespmem:v0+s0+$0x10 ss:$0x1], $0xffff  }
0xd7: {  	[tilespmem:s5+$0xC070] =	vst.add.f32.msk $0xffff, v1  }
0xd8: {  	v1 =	vld.idx.msk [tilespmem:v0+s0+$0x20 ss:$0x1], $0xffff  }
0xd9: {  	v7 =	vld.idx.msk [tilespmem:v0+s0+$0xFFFFFFC0 ss:$0x1], $0xffff  }
0xda: {  	[tilespmem:s5+$0xC010] =	vst.add.f32.msk $0xffff, v2  }
0xdb: {  	[tilespmem:s5+$0xC020] =	vst.add.f32.msk $0xffff, v3  }
.Ltmp6:
0xdc: {  	[tilespmem:s5+$0xC030] =	vst.add.f32.msk $0xffff, v4;
	(pc) =	sbr.rel @p1 .LBB2_16-.Ltmp6, $4  }
0xdd: {  	[tilespmem:s5+$0xC040] =	vst.add.f32.msk $0xffff, v5  }
0xde: {  	[tilespmem:s5+$0xC050] =	vst.add.f32.msk $0xffff, v6  }
0xdf: {  	[tilespmem:s5+$0xC000] =	vst.add.f32.msk $0xffff, v7  }
0xe0: {  	s0 =	sadd.s32 $0x400, s0;
	[tilespmem:s5+$0xC060] =	vst.add.f32.msk $0xffff, v1  }
0xe1: {  	s28 =	sadd.s32 $0x1, s28  }
0xe2: {  	p1 =	sne.s32 s28, $0x10  }
.Ltmp7:
0xe3: {  	_ = 	snop;
	(pc) =	sbr.rel @p1 .LBB2_15-.Ltmp7, $2  }
0xe4: {  	_ =	sdelay $0x2  }
0xe5: {  	s26 =	sadd.s32 $0x1, s26;
	s25 =	sadd.s32 $0x400, s25  }
.Ltmp8:
0xe6: {  	(pc) =	sbr.rel @p0 .LBB2_2-.Ltmp8, $4  }
0xe7: {  	_ = 	snop  }
0xe8: {  	s0 =	sadd.s32 s24, s12  }
0xe9: {  	[hbm4b:s0+s4] =	stream.linear.scatter [tilespmem:s17], [sflag:$0x5], $0x4000, $0x38;
	[tilespmem:$0x14000] =	vst v63  }
0xea: {  	p1 =	por $0x0, $0x0;
	p2 =	por $0x1, $0x1;
	s0 =	simm.s32 $0x800  }
0xeb: {  	_ =	swait.ge [sflag:s19], $0x4000  }
0xec: {  	[sflag:s19] =	ssyncset.done $0x0  }
0xed: {  	[sflag:s19] =	ssyncadd.s32 $0xFFFFC000  }
0xee: {  	_ =	swait.ge [sflag:s20], $0x4000  }
0xef: {  	[sflag:s20] =	ssyncset.done $0x0  }
0xf0: {  	s23 =	sadd.s32 $0x1, s23;
	[sflag:s20] =	ssyncadd.s32 $0xFFFFC000  }
0xf1: {  	p0 =	sne.s32 s23, s13;
	_ =	swait.ge [sflag:s21], $0x4000  }
.Ltmp9:
0xf2: {  	[sflag:s21] =	ssyncset.done $0x0;
	(pc) =	sbr.rel @p0 .LBB2_1-.Ltmp9, $4  }
0xf3: {  	[sflag:s21] =	ssyncadd.s32 $0xFFFFC000  }
0xf4: {  	_ =	swait.ge [sflag:s22], $0x4000  }
0xf5: {  	[sflag:s22] =	ssyncset.done $0x0  }
0xf6: {  	[sflag:s22] =	ssyncadd.s32 $0xFFFFC000  }
0xf7: {  	_ =	sfence.sel $0x180000  }
0xf8: {  	[bflag:$0x0] =	sbarrier.arrive $0xFFFF  }
0xf9: {  	_ =	strace $0x90000047  }
0xfa: {  	s0 =	stileid.u32;
	[bflag:$0x2] =	sbarrier.arrive $0xFFFF  }
0xfb: {  	p0 =	sne.s32 s0, $0x0;
	s0 =	rddreg [dreg:$0x3]  }
0xfc: {  	s0 =	sadd.s32 @!p0 $0x100000, s0  }
0xfd: {  	[sflag:s0] =	ssyncadd.tile.s32 @!p0 $0x1;
	_ =	shalt  }
.Lfunc_end2:
_tile_overlayer_lowered:
.L_overlay_start_2:
0xfe: {  	(tag) =	ssettag $0x2  }
0xff: {  	s0 =	rddreg [dreg:$0x0];
	s2 =	stileid.u32  }
0x100: {  	s1 =	rddreg [dreg:$0x1];
	p0 =	sne.s32 s2, $0x0  }
0x101: {  	s3 =	rddreg [dreg:$0x2];
	[bflag:$0x3] =	sbarrier.arrive $0xFFFF;
	s2 =	simm.s32 @!p0 $0x1C06  }
0x102: {  	[timem:s3], [sflag:s2] =	dma.local @!p0 [hbm:s0], s1  }
0x103: {  	s0 =	simm.s32 @!p0 $0x6  }
0x104: {  	_ =	swait.ge @!p0 [sflag:s0], s1  }
0x105: {  	s1 =	ssub.s32 @!p0 $0x0, s1;
	[sflag:s0] =	ssyncset.done @!p0 $0x0  }
0x106: {  	[sflag:s0] =	ssyncadd.s32 @!p0 s1  }
0x107: {  	[bflag:$0x3] =	sbarrier.arrive $0xFFFF  }
0x108: {  	_ =	shalt  }

</sc_bundles>
